<compile_context>
chip_gen: v7x
topology: tpu7x:2x2x1
jax: 0.10.2.dev20260603
libtpu: 0.0.44.dev20260713+nightly
codegen_flags: <defaults>
</compile_context>

<pallas_src>
import functools

import jax
import jax.numpy as jnp
import numpy as np
from jax import lax
from jax.experimental import pallas as pl
from jax.experimental.pallas import tpu as pltpu
from jax.experimental.pallas import tpu_sc as plsc

N_NODES = 10000
N_EDGES = 320000
NP = 10240
EP = 327680
EC = 128
NROWS = EP // EC
NC, NS = 2, 16
NW = NC * NS
CPW = NROWS // NW
RPT = NP // NS

D_IN = 128
D_HID = 64
D_O = 8


def _sc_mesh():
    return plsc.VectorSubcoreMesh(core_axis_name="c", subcore_axis_name="s")



@functools.partial(
    pl.kernel,
    out_type=jax.ShapeDtypeStruct((NC, NP, 8), jnp.float32),
    mesh=_sc_mesh(),
    scratch_types=[
        pltpu.VMEM_SHARED((NP, 8), jnp.float32),
        pltpu.VMEM((CPW, EC), jnp.int32),
        pltpu.VMEM((EC, 8), jnp.float32),
        pltpu.SemaphoreType.DMA,
        pltpu.SemaphoreType.DMA,
        pltpu.SemaphoreType.DMA,
    ],
    compiler_params=pltpu.CompilerParams(use_tc_tiling_on_sc=False),
    name="deg_hist",
)
def _deg_kernel(dst2d, zeros_hbm, ones_hbm, out, acc, idx_v, ones_v, sem0, sem1, sem2):
    c = lax.axis_index("c")
    s = lax.axis_index("s")
    wid = s * NC + c
    cp1 = pltpu.async_copy(ones_hbm, ones_v, sem0)
    cp2 = pltpu.async_copy(dst2d.at[pl.ds(wid * CPW, CPW)], idx_v, sem1)
    cp3 = pltpu.async_copy(zeros_hbm, acc.at[pl.ds(s * RPT, RPT)], sem2)
    cp1.wait()
    cp2.wait()
    cp3.wait()
    plsc.subcore_barrier()

    pltpu.async_copy(ones_v, acc.at[idx_v.at[0]], sem0, add=True)
    pltpu.async_copy(ones_v, acc.at[idx_v.at[1]], sem1, add=True)

    def body(k, carry):
        pltpu.make_async_copy(ones_v, acc.at[idx_v.at[2 * k - 2]], sem0).wait()
        pltpu.async_copy(ones_v, acc.at[idx_v.at[2 * k]], sem0, add=True)
        pltpu.make_async_copy(ones_v, acc.at[idx_v.at[2 * k - 1]], sem1).wait()
        pltpu.async_copy(ones_v, acc.at[idx_v.at[2 * k + 1]], sem1, add=True)
        return carry

    lax.fori_loop(1, CPW // 2, body, 0)
    pltpu.make_async_copy(ones_v, acc.at[idx_v.at[CPW - 2]], sem0).wait()
    pltpu.make_async_copy(ones_v, acc.at[idx_v.at[CPW - 1]], sem1).wait()
    plsc.subcore_barrier()
    pltpu.sync_copy(acc.at[pl.ds(s * RPT, RPT)], out.at[c, pl.ds(s * RPT, RPT)])


def _make_spmm(d):
    nbuf = 2 if d == D_HID else 4
    @functools.partial(
        pl.kernel,
        out_type=jax.ShapeDtypeStruct((NC, NP, d), jnp.float32),
        mesh=_sc_mesh(),
        scratch_types=[
            pltpu.VMEM_SHARED((NP, d), jnp.float32),
            pltpu.VMEM_SHARED((NP, d), jnp.float32),
            pltpu.VMEM((CPW, EC), jnp.int32),
            pltpu.VMEM((CPW, EC), jnp.int32),
            [pltpu.VMEM((EC, d), jnp.float32)] * nbuf,
            [pltpu.SemaphoreType.DMA] * nbuf,
            pltpu.SemaphoreType.DMA,
            pltpu.SemaphoreType.DMA,
        ],
        compiler_params=pltpu.CompilerParams(use_tc_tiling_on_sc=False),
        name=f"spmm{d}",
    )
    def spmm(table, src2d, dst2d, zeros_hbm, out, acc, table_s,
             src_v, dst_v, rows, gsem, psem0, psem1):
        c = lax.axis_index("c")
        s = lax.axis_index("s")
        wid = s * NC + c
        cp1 = pltpu.async_copy(src2d.at[pl.ds(wid * CPW, CPW)], src_v, gsem[0])
        cp2 = pltpu.async_copy(dst2d.at[pl.ds(wid * CPW, CPW)], dst_v, gsem[1])
        cp3 = pltpu.async_copy(zeros_hbm, acc.at[pl.ds(s * RPT, RPT)], psem0)
        cp4 = pltpu.async_copy(
            table.at[pl.ds(s * RPT, RPT)], table_s.at[pl.ds(s * RPT, RPT)], psem1)
        cp1.wait()
        cp2.wait()
        cp3.wait()
        cp4.wait()
        plsc.subcore_barrier()

        pltpu.sync_copy(table_s.at[src_v.at[0]], rows[0])
        pltpu.async_copy(rows[0], acc.at[dst_v.at[0]], gsem[0], add=True)
        pltpu.sync_copy(table_s.at[src_v.at[1]], rows[1])
        pltpu.async_copy(rows[1], acc.at[dst_v.at[1]], gsem[1], add=True)

        def body(k, carry):
            for b in range(2):
                j = 2 * k + b
                pltpu.make_async_copy(rows[b], acc.at[dst_v.at[j - 2]], gsem[b]).wait()
                pltpu.sync_copy(table_s.at[src_v.at[j]], rows[b])
                pltpu.async_copy(rows[b], acc.at[dst_v.at[j]], gsem[b], add=True)
            return carry

        lax.fori_loop(1, CPW // 2, body, 0)
        for b in range(2):
            pltpu.make_async_copy(rows[b], acc.at[dst_v.at[CPW - 2 + b]], gsem[b]).wait()
        plsc.subcore_barrier()
        pltpu.sync_copy(acc.at[pl.ds(s * RPT, RPT)], out.at[c, pl.ds(s * RPT, RPT)])

    return spmm


_spmm64 = _make_spmm(D_HID)
_spmm16 = _make_spmm(D_O)



_BN = 2048
_GRID = NP // _BN


def _dis(deg_ref):
    deg = deg_ref[0, :, 0] + deg_ref[1, :, 0] + 1.0
    return lax.rsqrt(deg)


def _tc1a_body(x_ref, w_ref, o_ref):
    o_ref[:] = jnp.dot(x_ref[:], w_ref[:], preferred_element_type=jnp.float32)


def _tc1b_body(h_ref, deg_ref, o_ref):
    o_ref[:] = h_ref[:] * _dis(deg_ref)[:, None]


def _tc2_body(a_ref, h1_ref, deg_ref, w2_ref, b1_ref, o_ref):
    dis = _dis(deg_ref)
    z = dis[:, None] * (a_ref[0] + a_ref[1] + h1_ref[:]) + b1_ref[:]
    z = jnp.maximum(z, 0.0)
    h2 = jnp.dot(z, w2_ref[:], preferred_element_type=jnp.float32)
    o_ref[:] = h2 * dis[:, None]


def _tc3_body(a_ref, h2_ref, deg_ref, b2_ref, o_ref):
    dis = _dis(deg_ref)
    full = dis[:, None] * (a_ref[0] + a_ref[1] + h2_ref[:]) + b2_ref[:]
    o_ref[:] = full[:, :2]


def _row_spec(d):
    return pl.BlockSpec((_BN, d), lambda i: (i, 0))


def _pair_spec(d):
    return pl.BlockSpec((NC, _BN, d), lambda i: (0, i, 0))


def _full_spec(shape):
    return pl.BlockSpec(shape, lambda i: tuple(0 for _ in shape))


def _tc1a(xp, W1):
    return pl.pallas_call(
        _tc1a_body,
        grid=(_GRID,),
        in_specs=[_row_spec(D_IN), _full_spec((D_IN, D_HID))],
        out_specs=_row_spec(D_HID),
        out_shape=jax.ShapeDtypeStruct((NP, D_HID), jnp.float32),
    )(xp, W1)


def _tc1b(h1, deg_pair):
    return pl.pallas_call(
        _tc1b_body,
        grid=(_GRID,),
        in_specs=[_row_spec(D_HID), _pair_spec(8)],
        out_specs=_row_spec(D_HID),
        out_shape=jax.ShapeDtypeStruct((NP, D_HID), jnp.float32),
    )(h1, deg_pair)


def _tc2(acc1, h1p, deg_pair, W2p, b1):
    return pl.pallas_call(
        _tc2_body,
        grid=(_GRID,),
        in_specs=[
            _pair_spec(D_HID), _row_spec(D_HID), _pair_spec(8),
            _full_spec((D_HID, D_O)), _full_spec((1, D_HID)),
        ],
        out_specs=_row_spec(D_O),
        out_shape=jax.ShapeDtypeStruct((NP, D_O), jnp.float32),
    )(acc1, h1p, deg_pair, W2p, b1)


_BO = 2000


def _tc3(acc2, h2p, deg_pair, b2p):
    return pl.pallas_call(
        _tc3_body,
        grid=(N_NODES // _BO,),
        in_specs=[
            pl.BlockSpec((NC, _BO, D_O), lambda i: (0, i, 0)),
            pl.BlockSpec((_BO, D_O), lambda i: (i, 0)),
            pl.BlockSpec((NC, _BO, 8), lambda i: (0, i, 0)),
            _full_spec((1, D_O)),
        ],
        out_specs=pl.BlockSpec((_BO, 2), lambda i: (i, 0)),
        out_shape=jax.ShapeDtypeStruct((N_NODES, 2), jnp.float32),
    )(acc2, h2p, deg_pair, b2p)



def kernel(x, edge_index, W1, b1, W2, b2):
    src = jnp.asarray(edge_index[0], jnp.int32)
    dst = jnp.asarray(edge_index[1], jnp.int32)
    src2d = jnp.pad(src.reshape(-1, EC), ((0, NROWS - N_EDGES // EC), (0, 0)))
    dst2d = jnp.pad(dst.reshape(-1, EC), ((0, NROWS - N_EDGES // EC), (0, 0)),
                    constant_values=N_NODES)
    xp = jnp.pad(x, ((0, NP - N_NODES), (0, 0)))
    W2p = jnp.pad(W2, ((0, 0), (0, D_O - W2.shape[1])))
    b2p = jnp.pad(b2, (0, D_O - b2.shape[0])).reshape(1, D_O)
    b1r = b1.reshape(1, D_HID)

    z8 = jnp.zeros((RPT, 8), jnp.float32)
    z64 = jnp.zeros((RPT, D_HID), jnp.float32)
    z16 = jnp.zeros((RPT, D_O), jnp.float32)
    ones8 = jnp.ones((EC, 8), jnp.float32)

    deg_pair = _deg_kernel(dst2d, z8, ones8)
    h1 = _tc1a(xp, W1)
    h1p = _tc1b(h1, deg_pair)
    acc1 = _spmm64(h1p, src2d, dst2d, z64)
    h2p = _tc2(acc1, h1p, deg_pair, W2p, b1r)
    acc2 = _spmm16(h2p, src2d, dst2d, z16)
    return _tc3(acc2, h2p, deg_pair, b2p)

# --- scband reference (transcript-rebuilt; emitter-appended) ---
"""Pipeline reference for scband-gcn-13331578486814 (READ-ONLY COPY).

The authoritative reference and input builder live on the scoring server;
editing this copy changes nothing except your own understanding.
"""

import jax, jax.numpy as jnp
import numpy as np

N_NODES = 10000
N_EDGES = 320000
D_IN = 128
D_HID = 64
D_OUT = 2


def setup_inputs(seed: int = 0) -> dict:
    key = jax.random.key(seed)
    k1, k2, k3, k4, k5, k6 = jax.random.split(key, 6)
    x = jax.random.normal(k1, (N_NODES, D_IN), dtype=jnp.float32)
    edge_index = jax.random.randint(k2, (2, N_EDGES), 0, N_NODES, dtype=jnp.int64)
    # GCNConv layer 1 params (glorot-ish init)
    W1 = jax.random.normal(k3, (D_IN, D_HID), dtype=jnp.float32) * (1.0 / np.sqrt(D_IN))
    b1 = jnp.zeros((D_HID,), dtype=jnp.float32)
    # GCNConv layer 2 params
    W2 = jax.random.normal(k4, (D_HID, D_OUT), dtype=jnp.float32) * (1.0 / np.sqrt(D_HID))
    b2 = jnp.zeros((D_OUT,), dtype=jnp.float32)
    return {"x": x, "edge_index": edge_index, "W1": W1, "b1": b1, "W2": W2, "b2": b2}


def _gcn_conv(x, src, dst, W, b):
    """Faithful PyG GCNConv: D^{-1/2} (A+I) D^{-1/2} X W + b with self-loops."""
    n = x.shape[0]
    # degree counts on dst side (edge weights = 1), self-loops already appended
    deg = jnp.zeros((n,), dtype=jnp.float32).at[dst].add(1.0)
    deg_inv_sqrt = jnp.where(deg > 0, jax.lax.rsqrt(deg), 0.0)
    norm = deg_inv_sqrt[src] * deg_inv_sqrt[dst]
    h = x @ W  # linear transform first (as in PyG)
    msg = jnp.take(h, src, axis=0) * norm[:, None]
    out = jax.ops.segment_sum(msg, dst, num_segments=n)
    return out + b


def reference(x, edge_index, W1, b1, W2, b2):
    n = x.shape[0]
    loop = jnp.arange(n, dtype=edge_index.dtype)
    src = jnp.concatenate([edge_index[0], loop])
    dst = jnp.concatenate([edge_index[1], loop])
    h = _gcn_conv(x, src, dst, W1, b1)
    h = jax.nn.relu(h)
    h = _gcn_conv(h, src, dst, W2, b2)
    return h

if __name__ == "__main__":
    import jax
    _d = setup_inputs()
    print(jax.jit(kernel)(*tuple(_d.values())))

</pallas_src>

<mosaic_0001>
#map = affine_map<(d0, d1) -> (0, 0)>
#map1 = affine_map<(d0, d1) -> (0, 0, 0)>
module attributes {stable_mosaic.version = 14 : i64} {
  func.func @deg_hist(%arg0: i32, %arg1: i32, %arg2: memref<2560x128xi32, #tpu.memory_space<hbm>>, %arg3: memref<640x8xf32, #tpu.memory_space<hbm>>, %arg4: memref<128x8xf32, #tpu.memory_space<hbm>>, %arg5: memref<2x10240x8xf32, #tpu.memory_space<hbm>>, %arg6: memref<10240x8xf32, #tpu.memory_space<vmem_shared>>, %arg7: memref<80x128xi32, #tpu.memory_space<vmem>>, %arg8: memref<128x8xf32, #tpu.memory_space<vmem>>, %arg9: memref<!tpu.dma_semaphore, #tpu.memory_space<semaphore_mem>>, %arg10: memref<!tpu.dma_semaphore, #tpu.memory_space<semaphore_mem>>, %arg11: memref<!tpu.dma_semaphore, #tpu.memory_space<semaphore_mem>>) attributes {dimension_semantics = [#tpu.dimension_semantics<core_parallel>, #tpu.dimension_semantics<subcore_parallel>], iteration_bounds = array<i64: 2, 16>, scalar_prefetch = 0 : i64, scratch_operands = 6 : i64, tpu.core_type = #tpu.core_type<sc_vector_subcore>, window_params = [{transform_indices = #map}, {transform_indices = #map}, {transform_indices = #map}, {transform_indices = #map1}]} {
    %mul3A = arith.constant 2 : i32
    %mul3A_0 = arith.muli %arg1, %mul3A : i32
    %add3A = arith.addi %mul3A_0, %arg0 : i32
    tpu.enqueue_dma source(%arg4 : memref<128x8xf32, #tpu.memory_space<hbm>>) target(%arg8 : memref<128x8xf32, #tpu.memory_space<vmem>>) target_semaphore(%arg9 : memref<!tpu.dma_semaphore, #tpu.memory_space<semaphore_mem>>)
    %mul3A_1 = arith.constant 80 : i32
    %mul3A_2 = arith.muli %add3A, %mul3A_1 : i32
    %dma_start3A = arith.constant 0 : i32
    %dma_start3A_3 = tpu.memref_slice %arg2[%mul3A_2, %dma_start3A] : memref<2560x128xi32, #tpu.memory_space<hbm>> -> memref<80x128xi32, #tpu.memory_space<hbm>>
    %dma_start3A_4 = arith.constant 0 : i32
    %dma_start3A_5 = tpu.memref_slice %arg2[%mul3A_2, %dma_start3A_4] : memref<2560x128xi32, #tpu.memory_space<hbm>> -> memref<80x128xi32, #tpu.memory_space<hbm>>
    tpu.enqueue_dma source(%dma_start3A_5 : memref<80x128xi32, #tpu.memory_space<hbm>>) target(%arg7 : memref<80x128xi32, #tpu.memory_space<vmem>>) target_semaphore(%arg10 : memref<!tpu.dma_semaphore, #tpu.memory_space<semaphore_mem>>)
    %mul3A_6 = arith.constant 640 : i32
    %mul3A_7 = arith.muli %arg1, %mul3A_6 : i32
    %dma_start3A_8 = arith.constant 0 : i32
    %dma_start3A_9 = tpu.memref_slice %arg6[%mul3A_7, %dma_start3A_8] : memref<10240x8xf32, #tpu.memory_space<vmem_shared>> -> memref<640x8xf32, #tpu.memory_space<vmem_shared>>
    tpu.enqueue_dma source(%arg3 : memref<640x8xf32, #tpu.memory_space<hbm>>) target(%dma_start3A_9 : memref<640x8xf32, #tpu.memory_space<vmem_shared>>) target_semaphore(%arg11 : memref<!tpu.dma_semaphore, #tpu.memory_space<semaphore_mem>>)
    tpu.wait_dma2 semaphore(%arg9 : memref<!tpu.dma_semaphore, #tpu.memory_space<semaphore_mem>>) src(%arg4 : memref<128x8xf32, #tpu.memory_space<hbm>>) dst(%arg8 : memref<128x8xf32, #tpu.memory_space<vmem>>)
    %dma_wait3A = arith.constant 0 : i32
    %dma_wait3A_10 = tpu.memref_slice %arg2[%mul3A_2, %dma_wait3A] : memref<2560x128xi32, #tpu.memory_space<hbm>> -> memref<80x128xi32, #tpu.memory_space<hbm>>
    %dma_wait3A_11 = arith.constant 0 : i32
    %dma_wait3A_12 = tpu.memref_slice %arg2[%mul3A_2, %dma_wait3A_11] : memref<2560x128xi32, #tpu.memory_space<hbm>> -> memref<80x128xi32, #tpu.memory_space<hbm>>
    tpu.wait_dma2 semaphore(%arg10 : memref<!tpu.dma_semaphore, #tpu.memory_space<semaphore_mem>>) src(%dma_wait3A_12 : memref<80x128xi32, #tpu.memory_space<hbm>>) dst(%arg7 : memref<80x128xi32, #tpu.memory_space<vmem>>)
    %dma_wait3A_13 = arith.constant 0 : i32
    %dma_wait3A_14 = tpu.memref_slice %arg6[%mul3A_7, %dma_wait3A_13] : memref<10240x8xf32, #tpu.memory_space<vmem_shared>> -> memref<640x8xf32, #tpu.memory_space<vmem_shared>>
    tpu.wait_dma2 semaphore(%arg11 : memref<!tpu.dma_semaphore, #tpu.memory_space<semaphore_mem>>) src(%arg3 : memref<640x8xf32, #tpu.memory_space<hbm>>) dst(%dma_wait3A_14 : memref<640x8xf32, #tpu.memory_space<vmem_shared>>)
    %barrier3A = arith.constant 0 : index
    tpu.barrier barrier_id(%barrier3A)
    %dma_start3A_15 = arith.constant 0 : i32
    %dma_start3A_16 = arith.constant 0 : i32
    %dma_start3A_17 = tpu.memref_slice %arg7[%dma_start3A_15, %dma_start3A_16] : memref<80x128xi32, #tpu.memory_space<vmem>> -> memref<1x128xi32, #tpu.memory_space<vmem>>
    %dma_start3A_18 = tpu.memref_squeeze %dma_start3A_17 : memref<1x128xi32, #tpu.memory_space<vmem>> -> memref<128xi32, #tpu.memory_space<vmem>>
    %dma_start3A_19 = arith.constant 0 : i32
    %dma_start3A_20 = arith.constant 0 : i32
    %dma_start3A_21 = tpu.memref_slice %arg6[%dma_start3A_19, %dma_start3A_20] : memref<10240x8xf32, #tpu.memory_space<vmem_shared>> -> memref<10240x8xf32, #tpu.memory_space<vmem_shared>>
    tpu.enqueue_indirect_dma source(%arg8 : memref<128x8xf32, #tpu.memory_space<vmem>>) target(%dma_start3A_21 : memref<10240x8xf32, #tpu.memory_space<vmem_shared>>) offsets(%dma_start3A_18 : memref<128xi32, #tpu.memory_space<vmem>>) semaphore(%arg9 : memref<!tpu.dma_semaphore, #tpu.memory_space<semaphore_mem>>) {add = true}
    %dma_start3A_22 = arith.constant 1 : i32
    %dma_start3A_23 = arith.constant 0 : i32
    %dma_start3A_24 = tpu.memref_slice %arg7[%dma_start3A_22, %dma_start3A_23] : memref<80x128xi32, #tpu.memory_space<vmem>> -> memref<1x128xi32, #tpu.memory_space<vmem>>
    %dma_start3A_25 = tpu.memref_squeeze %dma_start3A_24 : memref<1x128xi32, #tpu.memory_space<vmem>> -> memref<128xi32, #tpu.memory_space<vmem>>
    %dma_start3A_26 = arith.constant 0 : i32
    %dma_start3A_27 = arith.constant 0 : i32
    %dma_start3A_28 = tpu.memref_slice %arg6[%dma_start3A_26, %dma_start3A_27] : memref<10240x8xf32, #tpu.memory_space<vmem_shared>> -> memref<10240x8xf32, #tpu.memory_space<vmem_shared>>
    tpu.enqueue_indirect_dma source(%arg8 : memref<128x8xf32, #tpu.memory_space<vmem>>) target(%dma_start3A_28 : memref<10240x8xf32, #tpu.memory_space<vmem_shared>>) offsets(%dma_start3A_25 : memref<128xi32, #tpu.memory_space<vmem>>) semaphore(%arg10 : memref<!tpu.dma_semaphore, #tpu.memory_space<semaphore_mem>>) {add = true}
    %scan3A = arith.constant 0 : i32
    %scan3A_29 = arith.constant 1 : i32
    %scan3A_30 = arith.constant 39 : i32
    %scan3A_31 = arith.addi %scan3A_29, %scan3A_30 : i32
    %scan3A_32 = arith.constant 1 : i32
    scf.for %scan3A_53 = %scan3A_29 to %scan3A_31 step %scan3A_32  : i32 {
      %mul3A_54 = arith.constant 2 : i32
      %mul3A_55 = arith.muli %mul3A_54, %scan3A_53 : i32
      %sub3A = arith.constant 2 : i32
      %sub3A_56 = arith.subi %mul3A_55, %sub3A : i32
      %dma_wait3A_57 = arith.constant 0 : i32
      %dma_wait3A_58 = tpu.memref_slice %arg7[%sub3A_56, %dma_wait3A_57] : memref<80x128xi32, #tpu.memory_space<vmem>> -> memref<1x128xi32, #tpu.memory_space<vmem>>
      %dma_wait3A_59 = tpu.memref_squeeze %dma_wait3A_58 : memref<1x128xi32, #tpu.memory_space<vmem>> -> memref<128xi32, #tpu.memory_space<vmem>>
      %dma_wait3A_60 = arith.constant 0 : i32
      %dma_wait3A_61 = arith.constant 0 : i32
      %dma_wait3A_62 = tpu.memref_slice %arg6[%dma_wait3A_60, %dma_wait3A_61] : memref<10240x8xf32, #tpu.memory_space<vmem_shared>> -> memref<10240x8xf32, #tpu.memory_space<vmem_shared>>
      tpu.wait_indirect_dma semaphore(%arg9 : memref<!tpu.dma_semaphore, #tpu.memory_space<semaphore_mem>>) src(%arg8 : memref<128x8xf32, #tpu.memory_space<vmem>>) dst(%dma_wait3A_62 : memref<10240x8xf32, #tpu.memory_space<vmem_shared>>)
      %mul3A_63 = arith.constant 2 : i32
      %mul3A_64 = arith.muli %mul3A_63, %scan3A_53 : i32
      %dma_start3A_65 = arith.constant 0 : i32
      %dma_start3A_66 = tpu.memref_slice %arg7[%mul3A_64, %dma_start3A_65] : memref<80x128xi32, #tpu.memory_space<vmem>> -> memref<1x128xi32, #tpu.memory_space<vmem>>
      %dma_start3A_67 = tpu.memref_squeeze %dma_start3A_66 : memref<1x128xi32, #tpu.memory_space<vmem>> -> memref<128xi32, #tpu.memory_space<vmem>>
      %dma_start3A_68 = arith.constant 0 : i32
      %dma_start3A_69 = arith.constant 0 : i32
      %dma_start3A_70 = tpu.memref_slice %arg6[%dma_start3A_68, %dma_start3A_69] : memref<10240x8xf32, #tpu.memory_space<vmem_shared>> -> memref<10240x8xf32, #tpu.memory_space<vmem_shared>>
      tpu.enqueue_indirect_dma source(%arg8 : memref<128x8xf32, #tpu.memory_space<vmem>>) target(%dma_start3A_70 : memref<10240x8xf32, #tpu.memory_space<vmem_shared>>) offsets(%dma_start3A_67 : memref<128xi32, #tpu.memory_space<vmem>>) semaphore(%arg9 : memref<!tpu.dma_semaphore, #tpu.memory_space<semaphore_mem>>) {add = true}
      %mul3A_71 = arith.constant 2 : i32
      %mul3A_72 = arith.muli %mul3A_71, %scan3A_53 : i32
      %sub3A_73 = arith.constant 1 : i32
      %sub3A_74 = arith.subi %mul3A_72, %sub3A_73 : i32
      %dma_wait3A_75 = arith.constant 0 : i32
      %dma_wait3A_76 = tpu.memref_slice %arg7[%sub3A_74, %dma_wait3A_75] : memref<80x128xi32, #tpu.memory_space<vmem>> -> memref<1x128xi32, #tpu.memory_space<vmem>>
      %dma_wait3A_77 = tpu.memref_squeeze %dma_wait3A_76 : memref<1x128xi32, #tpu.memory_space<vmem>> -> memref<128xi32, #tpu.memory_space<vmem>>
      %dma_wait3A_78 = arith.constant 0 : i32
      %dma_wait3A_79 = arith.constant 0 : i32
      %dma_wait3A_80 = tpu.memref_slice %arg6[%dma_wait3A_78, %dma_wait3A_79] : memref<10240x8xf32, #tpu.memory_space<vmem_shared>> -> memref<10240x8xf32, #tpu.memory_space<vmem_shared>>
      tpu.wait_indirect_dma semaphore(%arg10 : memref<!tpu.dma_semaphore, #tpu.memory_space<semaphore_mem>>) src(%arg8 : memref<128x8xf32, #tpu.memory_space<vmem>>) dst(%dma_wait3A_80 : memref<10240x8xf32, #tpu.memory_space<vmem_shared>>)
      %mul3A_81 = arith.constant 2 : i32
      %mul3A_82 = arith.muli %mul3A_81, %scan3A_53 : i32
      %add3A_83 = arith.constant 1 : i32
      %add3A_84 = arith.addi %mul3A_82, %add3A_83 : i32
      %dma_start3A_85 = arith.constant 0 : i32
      %dma_start3A_86 = tpu.memref_slice %arg7[%add3A_84, %dma_start3A_85] : memref<80x128xi32, #tpu.memory_space<vmem>> -> memref<1x128xi32, #tpu.memory_space<vmem>>
      %dma_start3A_87 = tpu.memref_squeeze %dma_start3A_86 : memref<1x128xi32, #tpu.memory_space<vmem>> -> memref<128xi32, #tpu.memory_space<vmem>>
      %dma_start3A_88 = arith.constant 0 : i32
      %dma_start3A_89 = arith.constant 0 : i32
      %dma_start3A_90 = tpu.memref_slice %arg6[%dma_start3A_88, %dma_start3A_89] : memref<10240x8xf32, #tpu.memory_space<vmem_shared>> -> memref<10240x8xf32, #tpu.memory_space<vmem_shared>>
      tpu.enqueue_indirect_dma source(%arg8 : memref<128x8xf32, #tpu.memory_space<vmem>>) target(%dma_start3A_90 : memref<10240x8xf32, #tpu.memory_space<vmem_shared>>) offsets(%dma_start3A_87 : memref<128xi32, #tpu.memory_space<vmem>>) semaphore(%arg10 : memref<!tpu.dma_semaphore, #tpu.memory_space<semaphore_mem>>) {add = true}
    }
    %scan3A_33 = arith.constant 39 : i32
    %dma_wait3A_34 = arith.constant 78 : i32
    %dma_wait3A_35 = arith.constant 0 : i32
    %dma_wait3A_36 = tpu.memref_slice %arg7[%dma_wait3A_34, %dma_wait3A_35] : memref<80x128xi32, #tpu.memory_space<vmem>> -> memref<1x128xi32, #tpu.memory_space<vmem>>
    %dma_wait3A_37 = tpu.memref_squeeze %dma_wait3A_36 : memref<1x128xi32, #tpu.memory_space<vmem>> -> memref<128xi32, #tpu.memory_space<vmem>>
    %dma_wait3A_38 = arith.constant 0 : i32
    %dma_wait3A_39 = arith.constant 0 : i32
    %dma_wait3A_40 = tpu.memref_slice %arg6[%dma_wait3A_38, %dma_wait3A_39] : memref<10240x8xf32, #tpu.memory_space<vmem_shared>> -> memref<10240x8xf32, #tpu.memory_space<vmem_shared>>
    tpu.wait_indirect_dma semaphore(%arg9 : memref<!tpu.dma_semaphore, #tpu.memory_space<semaphore_mem>>) src(%arg8 : memref<128x8xf32, #tpu.memory_space<vmem>>) dst(%dma_wait3A_40 : memref<10240x8xf32, #tpu.memory_space<vmem_shared>>)
    %dma_wait3A_41 = arith.constant 79 : i32
    %dma_wait3A_42 = arith.constant 0 : i32
    %dma_wait3A_43 = tpu.memref_slice %arg7[%dma_wait3A_41, %dma_wait3A_42] : memref<80x128xi32, #tpu.memory_space<vmem>> -> memref<1x128xi32, #tpu.memory_space<vmem>>
    %dma_wait3A_44 = tpu.memref_squeeze %dma_wait3A_43 : memref<1x128xi32, #tpu.memory_space<vmem>> -> memref<128xi32, #tpu.memory_space<vmem>>
    %dma_wait3A_45 = arith.constant 0 : i32
    %dma_wait3A_46 = arith.constant 0 : i32
    %dma_wait3A_47 = tpu.memref_slice %arg6[%dma_wait3A_45, %dma_wait3A_46] : memref<10240x8xf32, #tpu.memory_space<vmem_shared>> -> memref<10240x8xf32, #tpu.memory_space<vmem_shared>>
    tpu.wait_indirect_dma semaphore(%arg10 : memref<!tpu.dma_semaphore, #tpu.memory_space<semaphore_mem>>) src(%arg8 : memref<128x8xf32, #tpu.memory_space<vmem>>) dst(%dma_wait3A_47 : memref<10240x8xf32, #tpu.memory_space<vmem_shared>>)
    %barrier3A_48 = arith.constant 0 : index
    tpu.barrier barrier_id(%barrier3A_48)
    %mul3A_49 = arith.constant 640 : i32
    %mul3A_50 = arith.muli %arg1, %mul3A_49 : i32
    %mul3A_51 = arith.constant 640 : i32
    %mul3A_52 = arith.muli %arg1, %mul3A_51 : i32
    "tpu.region"() ({
      %run_scoped3A = tpu.sem_alloc : memref<!tpu.dma_semaphore, #tpu.memory_space<semaphore_mem>>
      %dma_start3A_53 = arith.constant 0 : i32
      %dma_start3A_54 = tpu.memref_slice %arg5[%arg0, %mul3A_52, %dma_start3A_53] : memref<2x10240x8xf32, #tpu.memory_space<hbm>> -> memref<1x640x8xf32, #tpu.memory_space<hbm>>
      %dma_start3A_55 = tpu.memref_squeeze %dma_start3A_54 : memref<1x640x8xf32, #tpu.memory_space<hbm>> -> memref<640x8xf32, #tpu.memory_space<hbm>>
      %dma_start3A_56 = arith.constant 0 : i32
      %dma_start3A_57 = tpu.memref_slice %arg6[%mul3A_50, %dma_start3A_56] : memref<10240x8xf32, #tpu.memory_space<vmem_shared>> -> memref<640x8xf32, #tpu.memory_space<vmem_shared>>
      tpu.enqueue_dma source(%dma_start3A_57 : memref<640x8xf32, #tpu.memory_space<vmem_shared>>) target(%dma_start3A_55 : memref<640x8xf32, #tpu.memory_space<hbm>>) target_semaphore(%run_scoped3A : memref<!tpu.dma_semaphore, #tpu.memory_space<semaphore_mem>>)
      %dma_wait3A_58 = arith.constant 0 : i32
      %dma_wait3A_59 = tpu.memref_slice %arg5[%arg0, %mul3A_52, %dma_wait3A_58] : memref<2x10240x8xf32, #tpu.memory_space<hbm>> -> memref<1x640x8xf32, #tpu.memory_space<hbm>>
      %dma_wait3A_60 = tpu.memref_squeeze %dma_wait3A_59 : memref<1x640x8xf32, #tpu.memory_space<hbm>> -> memref<640x8xf32, #tpu.memory_space<hbm>>
      %dma_wait3A_61 = arith.constant 0 : i32
      %dma_wait3A_62 = tpu.memref_slice %arg6[%mul3A_50, %dma_wait3A_61] : memref<10240x8xf32, #tpu.memory_space<vmem_shared>> -> memref<640x8xf32, #tpu.memory_space<vmem_shared>>
      tpu.wait_dma2 semaphore(%run_scoped3A : memref<!tpu.dma_semaphore, #tpu.memory_space<semaphore_mem>>) src(%dma_wait3A_62 : memref<640x8xf32, #tpu.memory_space<vmem_shared>>) dst(%dma_wait3A_60 : memref<640x8xf32, #tpu.memory_space<hbm>>)
      tpu.yield
    }) : () -> ()
    return
  }
}

#map = affine_map<(d0, d1) -> (0, 0)>
#map1 = affine_map<(d0, d1) -> (0, 0, 0)>
module attributes {stable_mosaic.version = 14 : i64} {
  func.func @spmm64(%arg0: i32, %arg1: i32, %arg2: memref<10240x64xf32, #tpu.memory_space<hbm>>, %arg3: memref<2560x128xi32, #tpu.memory_space<hbm>>, %arg4: memref<2560x128xi32, #tpu.memory_space<hbm>>, %arg5: memref<640x64xf32, #tpu.memory_space<hbm>>, %arg6: memref<2x10240x64xf32, #tpu.memory_space<hbm>>, %arg7: memref<10240x64xf32, #tpu.memory_space<vmem_shared>>, %arg8: memref<10240x64xf32, #tpu.memory_space<vmem_shared>>, %arg9: memref<80x128xi32, #tpu.memory_space<vmem>>, %arg10: memref<80x128xi32, #tpu.memory_space<vmem>>, %arg11: memref<128x64xf32, #tpu.memory_space<vmem>>, %arg12: memref<128x64xf32, #tpu.memory_space<vmem>>, %arg13: memref<!tpu.dma_semaphore, #tpu.memory_space<semaphore_mem>>, %arg14: memref<!tpu.dma_semaphore, #tpu.memory_space<semaphore_mem>>, %arg15: memref<!tpu.dma_semaphore, #tpu.memory_space<semaphore_mem>>, %arg16: memref<!tpu.dma_semaphore, #tpu.memory_space<semaphore_mem>>) attributes {dimension_semantics = [#tpu.dimension_semantics<core_parallel>, #tpu.dimension_semantics<subcore_parallel>], iteration_bounds = array<i64: 2, 16>, scalar_prefetch = 0 : i64, scratch_operands = 10 : i64, tpu.core_type = #tpu.core_type<sc_vector_subcore>, window_params = [{transform_indices = #map}, {transform_indices = #map}, {transform_indices = #map}, {transform_indices = #map}, {transform_indices = #map1}]} {
    %mul3A = arith.constant 2 : i32
    %mul3A_0 = arith.muli %arg1, %mul3A : i32
    %add3A = arith.addi %mul3A_0, %arg0 : i32
    %mul3A_1 = arith.constant 80 : i32
    %mul3A_2 = arith.muli %add3A, %mul3A_1 : i32
    %dma_start3A = arith.constant 0 : i32
    %dma_start3A_3 = tpu.memref_slice %arg3[%mul3A_2, %dma_start3A] : memref<2560x128xi32, #tpu.memory_space<hbm>> -> memref<80x128xi32, #tpu.memory_space<hbm>>
    %dma_start3A_4 = arith.constant 0 : i32
    %dma_start3A_5 = tpu.memref_slice %arg3[%mul3A_2, %dma_start3A_4] : memref<2560x128xi32, #tpu.memory_space<hbm>> -> memref<80x128xi32, #tpu.memory_space<hbm>>
    tpu.enqueue_dma source(%dma_start3A_5 : memref<80x128xi32, #tpu.memory_space<hbm>>) target(%arg9 : memref<80x128xi32, #tpu.memory_space<vmem>>) target_semaphore(%arg13 : memref<!tpu.dma_semaphore, #tpu.memory_space<semaphore_mem>>)
    %mul3A_6 = arith.constant 80 : i32
    %mul3A_7 = arith.muli %add3A, %mul3A_6 : i32
    %dma_start3A_8 = arith.constant 0 : i32
    %dma_start3A_9 = tpu.memref_slice %arg4[%mul3A_7, %dma_start3A_8] : memref<2560x128xi32, #tpu.memory_space<hbm>> -> memref<80x128xi32, #tpu.memory_space<hbm>>
    %dma_start3A_10 = arith.constant 0 : i32
    %dma_start3A_11 = tpu.memref_slice %arg4[%mul3A_7, %dma_start3A_10] : memref<2560x128xi32, #tpu.memory_space<hbm>> -> memref<80x128xi32, #tpu.memory_space<hbm>>
    tpu.enqueue_dma source(%dma_start3A_11 : memref<80x128xi32, #tpu.memory_space<hbm>>) target(%arg10 : memref<80x128xi32, #tpu.memory_space<vmem>>) target_semaphore(%arg14 : memref<!tpu.dma_semaphore, #tpu.memory_space<semaphore_mem>>)
    %mul3A_12 = arith.constant 640 : i32
    %mul3A_13 = arith.muli %arg1, %mul3A_12 : i32
    %dma_start3A_14 = arith.constant 0 : i32
    %dma_start3A_15 = tpu.memref_slice %arg7[%mul3A_13, %dma_start3A_14] : memref<10240x64xf32, #tpu.memory_space<vmem_shared>> -> memref<640x64xf32, #tpu.memory_space<vmem_shared>>
    tpu.enqueue_dma source(%arg5 : memref<640x64xf32, #tpu.memory_space<hbm>>) target(%dma_start3A_15 : memref<640x64xf32, #tpu.memory_space<vmem_shared>>) target_semaphore(%arg15 : memref<!tpu.dma_semaphore, #tpu.memory_space<semaphore_mem>>)
    %mul3A_16 = arith.constant 640 : i32
    %mul3A_17 = arith.muli %arg1, %mul3A_16 : i32
    %mul3A_18 = arith.constant 640 : i32
    %mul3A_19 = arith.muli %arg1, %mul3A_18 : i32
    %dma_start3A_20 = arith.constant 0 : i32
    %dma_start3A_21 = tpu.memref_slice %arg8[%mul3A_19, %dma_start3A_20] : memref<10240x64xf32, #tpu.memory_space<vmem_shared>> -> memref<640x64xf32, #tpu.memory_space<vmem_shared>>
    %dma_start3A_22 = arith.constant 0 : i32
    %dma_start3A_23 = tpu.memref_slice %arg2[%mul3A_17, %dma_start3A_22] : memref<10240x64xf32, #tpu.memory_space<hbm>> -> memref<640x64xf32, #tpu.memory_space<hbm>>
    tpu.enqueue_dma source(%dma_start3A_23 : memref<640x64xf32, #tpu.memory_space<hbm>>) target(%dma_start3A_21 : memref<640x64xf32, #tpu.memory_space<vmem_shared>>) target_semaphore(%arg16 : memref<!tpu.dma_semaphore, #tpu.memory_space<semaphore_mem>>)
    %dma_wait3A = arith.constant 0 : i32
    %dma_wait3A_24 = tpu.memref_slice %arg3[%mul3A_2, %dma_wait3A] : memref<2560x128xi32, #tpu.memory_space<hbm>> -> memref<80x128xi32, #tpu.memory_space<hbm>>
    %dma_wait3A_25 = arith.constant 0 : i32
    %dma_wait3A_26 = tpu.memref_slice %arg3[%mul3A_2, %dma_wait3A_25] : memref<2560x128xi32, #tpu.memory_space<hbm>> -> memref<80x128xi32, #tpu.memory_space<hbm>>
    tpu.wait_dma2 semaphore(%arg13 : memref<!tpu.dma_semaphore, #tpu.memory_space<semaphore_mem>>) src(%dma_wait3A_26 : memref<80x128xi32, #tpu.memory_space<hbm>>) dst(%arg9 : memref<80x128xi32, #tpu.memory_space<vmem>>)
    %dma_wait3A_27 = arith.constant 0 : i32
    %dma_wait3A_28 = tpu.memref_slice %arg4[%mul3A_7, %dma_wait3A_27] : memref<2560x128xi32, #tpu.memory_space<hbm>> -> memref<80x128xi32, #tpu.memory_space<hbm>>
    %dma_wait3A_29 = arith.constant 0 : i32
    %dma_wait3A_30 = tpu.memref_slice %arg4[%mul3A_7, %dma_wait3A_29] : memref<2560x128xi32, #tpu.memory_space<hbm>> -> memref<80x128xi32, #tpu.memory_space<hbm>>
    tpu.wait_dma2 semaphore(%arg14 : memref<!tpu.dma_semaphore, #tpu.memory_space<semaphore_mem>>) src(%dma_wait3A_30 : memref<80x128xi32, #tpu.memory_space<hbm>>) dst(%arg10 : memref<80x128xi32, #tpu.memory_space<vmem>>)
    %dma_wait3A_31 = arith.constant 0 : i32
    %dma_wait3A_32 = tpu.memref_slice %arg7[%mul3A_13, %dma_wait3A_31] : memref<10240x64xf32, #tpu.memory_space<vmem_shared>> -> memref<640x64xf32, #tpu.memory_space<vmem_shared>>
    tpu.wait_dma2 semaphore(%arg15 : memref<!tpu.dma_semaphore, #tpu.memory_space<semaphore_mem>>) src(%arg5 : memref<640x64xf32, #tpu.memory_space<hbm>>) dst(%dma_wait3A_32 : memref<640x64xf32, #tpu.memory_space<vmem_shared>>)
    %dma_wait3A_33 = arith.constant 0 : i32
    %dma_wait3A_34 = tpu.memref_slice %arg8[%mul3A_19, %dma_wait3A_33] : memref<10240x64xf32, #tpu.memory_space<vmem_shared>> -> memref<640x64xf32, #tpu.memory_space<vmem_shared>>
    %dma_wait3A_35 = arith.constant 0 : i32
    %dma_wait3A_36 = tpu.memref_slice %arg2[%mul3A_17, %dma_wait3A_35] : memref<10240x64xf32, #tpu.memory_space<hbm>> -> memref<640x64xf32, #tpu.memory_space<hbm>>
    tpu.wait_dma2 semaphore(%arg16 : memref<!tpu.dma_semaphore, #tpu.memory_space<semaphore_mem>>) src(%dma_wait3A_36 : memref<640x64xf32, #tpu.memory_space<hbm>>) dst(%dma_wait3A_34 : memref<640x64xf32, #tpu.memory_space<vmem_shared>>)
    %barrier3A = arith.constant 0 : index
    tpu.barrier barrier_id(%barrier3A)
    %run_scoped3A = arith.constant 0 : i32
    "tpu.region"() ({
      %run_scoped3A_76 = tpu.sem_alloc : memref<!tpu.dma_semaphore, #tpu.memory_space<semaphore_mem>>
      %dma_start3A_77 = arith.constant 0 : i32
      %dma_start3A_78 = tpu.memref_slice %arg9[%run_scoped3A, %dma_start3A_77] : memref<80x128xi32, #tpu.memory_space<vmem>> -> memref<1x128xi32, #tpu.memory_space<vmem>>
      %dma_start3A_79 = tpu.memref_squeeze %dma_start3A_78 : memref<1x128xi32, #tpu.memory_space<vmem>> -> memref<128xi32, #tpu.memory_space<vmem>>
      %dma_start3A_80 = arith.constant 0 : i32
      %dma_start3A_81 = arith.constant 0 : i32
      %dma_start3A_82 = tpu.memref_slice %arg8[%dma_start3A_80, %dma_start3A_81] : memref<10240x64xf32, #tpu.memory_space<vmem_shared>> -> memref<10240x64xf32, #tpu.memory_space<vmem_shared>>
      tpu.enqueue_indirect_dma source(%dma_start3A_82 : memref<10240x64xf32, #tpu.memory_space<vmem_shared>>) target(%arg11 : memref<128x64xf32, #tpu.memory_space<vmem>>) offsets(%dma_start3A_79 : memref<128xi32, #tpu.memory_space<vmem>>) semaphore(%run_scoped3A_76 : memref<!tpu.dma_semaphore, #tpu.memory_space<semaphore_mem>>)
      %dma_wait3A_83 = arith.constant 0 : i32
      %dma_wait3A_84 = tpu.memref_slice %arg9[%run_scoped3A, %dma_wait3A_83] : memref<80x128xi32, #tpu.memory_space<vmem>> -> memref<1x128xi32, #tpu.memory_space<vmem>>
      %dma_wait3A_85 = tpu.memref_squeeze %dma_wait3A_84 : memref<1x128xi32, #tpu.memory_space<vmem>> -> memref<128xi32, #tpu.memory_space<vmem>>
      %dma_wait3A_86 = arith.constant 0 : i32
      %dma_wait3A_87 = arith.constant 0 : i32
      %dma_wait3A_88 = tpu.memref_slice %arg8[%dma_wait3A_86, %dma_wait3A_87] : memref<10240x64xf32, #tpu.memory_space<vmem_shared>> -> memref<10240x64xf32, #tpu.memory_space<vmem_shared>>
      tpu.wait_indirect_dma semaphore(%run_scoped3A_76 : memref<!tpu.dma_semaphore, #tpu.memory_space<semaphore_mem>>) src(%dma_wait3A_88 : memref<10240x64xf32, #tpu.memory_space<vmem_shared>>) dst(%arg11 : memref<128x64xf32, #tpu.memory_space<vmem>>)
      tpu.yield
    }) : () -> ()
    %dma_start3A_37 = arith.constant 0 : i32
    %dma_start3A_38 = arith.constant 0 : i32
    %dma_start3A_39 = tpu.memref_slice %arg10[%dma_start3A_37, %dma_start3A_38] : memref<80x128xi32, #tpu.memory_space<vmem>> -> memref<1x128xi32, #tpu.memory_space<vmem>>
    %dma_start3A_40 = tpu.memref_squeeze %dma_start3A_39 : memref<1x128xi32, #tpu.memory_space<vmem>> -> memref<128xi32, #tpu.memory_space<vmem>>
    %dma_start3A_41 = arith.constant 0 : i32
    %dma_start3A_42 = arith.constant 0 : i32
    %dma_start3A_43 = tpu.memref_slice %arg7[%dma_start3A_41, %dma_start3A_42] : memref<10240x64xf32, #tpu.memory_space<vmem_shared>> -> memref<10240x64xf32, #tpu.memory_space<vmem_shared>>
    tpu.enqueue_indirect_dma source(%arg11 : memref<128x64xf32, #tpu.memory_space<vmem>>) target(%dma_start3A_43 : memref<10240x64xf32, #tpu.memory_space<vmem_shared>>) offsets(%dma_start3A_40 : memref<128xi32, #tpu.memory_space<vmem>>) semaphore(%arg13 : memref<!tpu.dma_semaphore, #tpu.memory_space<semaphore_mem>>) {add = true}
    %run_scoped3A_44 = arith.constant 1 : i32
    "tpu.region"() ({
      %run_scoped3A_76 = tpu.sem_alloc : memref<!tpu.dma_semaphore, #tpu.memory_space<semaphore_mem>>
      %dma_start3A_77 = arith.constant 0 : i32
      %dma_start3A_78 = tpu.memref_slice %arg9[%run_scoped3A_44, %dma_start3A_77] : memref<80x128xi32, #tpu.memory_space<vmem>> -> memref<1x128xi32, #tpu.memory_space<vmem>>
      %dma_start3A_79 = tpu.memref_squeeze %dma_start3A_78 : memref<1x128xi32, #tpu.memory_space<vmem>> -> memref<128xi32, #tpu.memory_space<vmem>>
      %dma_start3A_80 = arith.constant 0 : i32
      %dma_start3A_81 = arith.constant 0 : i32
      %dma_start3A_82 = tpu.memref_slice %arg8[%dma_start3A_80, %dma_start3A_81] : memref<10240x64xf32, #tpu.memory_space<vmem_shared>> -> memref<10240x64xf32, #tpu.memory_space<vmem_shared>>
      tpu.enqueue_indirect_dma source(%dma_start3A_82 : memref<10240x64xf32, #tpu.memory_space<vmem_shared>>) target(%arg12 : memref<128x64xf32, #tpu.memory_space<vmem>>) offsets(%dma_start3A_79 : memref<128xi32, #tpu.memory_space<vmem>>) semaphore(%run_scoped3A_76 : memref<!tpu.dma_semaphore, #tpu.memory_space<semaphore_mem>>)
      %dma_wait3A_83 = arith.constant 0 : i32
      %dma_wait3A_84 = tpu.memref_slice %arg9[%run_scoped3A_44, %dma_wait3A_83] : memref<80x128xi32, #tpu.memory_space<vmem>> -> memref<1x128xi32, #tpu.memory_space<vmem>>
      %dma_wait3A_85 = tpu.memref_squeeze %dma_wait3A_84 : memref<1x128xi32, #tpu.memory_space<vmem>> -> memref<128xi32, #tpu.memory_space<vmem>>
      %dma_wait3A_86 = arith.constant 0 : i32
      %dma_wait3A_87 = arith.constant 0 : i32
      %dma_wait3A_88 = tpu.memref_slice %arg8[%dma_wait3A_86, %dma_wait3A_87] : memref<10240x64xf32, #tpu.memory_space<vmem_shared>> -> memref<10240x64xf32, #tpu.memory_space<vmem_shared>>
      tpu.wait_indirect_dma semaphore(%run_scoped3A_76 : memref<!tpu.dma_semaphore, #tpu.memory_space<semaphore_mem>>) src(%dma_wait3A_88 : memref<10240x64xf32, #tpu.memory_space<vmem_shared>>) dst(%arg12 : memref<128x64xf32, #tpu.memory_space<vmem>>)
      tpu.yield
    }) : () -> ()
    %dma_start3A_45 = arith.constant 1 : i32
    %dma_start3A_46 = arith.constant 0 : i32
    %dma_start3A_47 = tpu.memref_slice %arg10[%dma_start3A_45, %dma_start3A_46] : memref<80x128xi32, #tpu.memory_space<vmem>> -> memref<1x128xi32, #tpu.memory_space<vmem>>
    %dma_start3A_48 = tpu.memref_squeeze %dma_start3A_47 : memref<1x128xi32, #tpu.memory_space<vmem>> -> memref<128xi32, #tpu.memory_space<vmem>>
    %dma_start3A_49 = arith.constant 0 : i32
    %dma_start3A_50 = arith.constant 0 : i32
    %dma_start3A_51 = tpu.memref_slice %arg7[%dma_start3A_49, %dma_start3A_50] : memref<10240x64xf32, #tpu.memory_space<vmem_shared>> -> memref<10240x64xf32, #tpu.memory_space<vmem_shared>>
    tpu.enqueue_indirect_dma source(%arg12 : memref<128x64xf32, #tpu.memory_space<vmem>>) target(%dma_start3A_51 : memref<10240x64xf32, #tpu.memory_space<vmem_shared>>) offsets(%dma_start3A_48 : memref<128xi32, #tpu.memory_space<vmem>>) semaphore(%arg14 : memref<!tpu.dma_semaphore, #tpu.memory_space<semaphore_mem>>) {add = true}
    %scan3A = arith.constant 0 : i32
    %scan3A_52 = arith.constant 1 : i32
    %scan3A_53 = arith.constant 39 : i32
    %scan3A_54 = arith.addi %scan3A_52, %scan3A_53 : i32
    %scan3A_55 = arith.constant 1 : i32
    scf.for %scan3A_76 = %scan3A_52 to %scan3A_54 step %scan3A_55  : i32 {
      %mul3A_77 = arith.constant 2 : i32
      %mul3A_78 = arith.muli %mul3A_77, %scan3A_76 : i32
      %add3A_79 = arith.constant 0 : i32
      %add3A_80 = arith.addi %mul3A_78, %add3A_79 : i32
      %sub3A = arith.constant 2 : i32
      %sub3A_81 = arith.subi %add3A_80, %sub3A : i32
      %dma_wait3A_82 = arith.constant 0 : i32
      %dma_wait3A_83 = tpu.memref_slice %arg10[%sub3A_81, %dma_wait3A_82] : memref<80x128xi32, #tpu.memory_space<vmem>> -> memref<1x128xi32, #tpu.memory_space<vmem>>
      %dma_wait3A_84 = tpu.memref_squeeze %dma_wait3A_83 : memref<1x128xi32, #tpu.memory_space<vmem>> -> memref<128xi32, #tpu.memory_space<vmem>>
      %dma_wait3A_85 = arith.constant 0 : i32
      %dma_wait3A_86 = arith.constant 0 : i32
      %dma_wait3A_87 = tpu.memref_slice %arg7[%dma_wait3A_85, %dma_wait3A_86] : memref<10240x64xf32, #tpu.memory_space<vmem_shared>> -> memref<10240x64xf32, #tpu.memory_space<vmem_shared>>
      tpu.wait_indirect_dma semaphore(%arg13 : memref<!tpu.dma_semaphore, #tpu.memory_space<semaphore_mem>>) src(%arg11 : memref<128x64xf32, #tpu.memory_space<vmem>>) dst(%dma_wait3A_87 : memref<10240x64xf32, #tpu.memory_space<vmem_shared>>)
      "tpu.region"() ({
        %run_scoped3A_112 = tpu.sem_alloc : memref<!tpu.dma_semaphore, #tpu.memory_space<semaphore_mem>>
        %dma_start3A_113 = arith.constant 0 : i32
        %dma_start3A_114 = tpu.memref_slice %arg9[%add3A_80, %dma_start3A_113] : memref<80x128xi32, #tpu.memory_space<vmem>> -> memref<1x128xi32, #tpu.memory_space<vmem>>
        %dma_start3A_115 = tpu.memref_squeeze %dma_start3A_114 : memref<1x128xi32, #tpu.memory_space<vmem>> -> memref<128xi32, #tpu.memory_space<vmem>>
        %dma_start3A_116 = arith.constant 0 : i32
        %dma_start3A_117 = arith.constant 0 : i32
        %dma_start3A_118 = tpu.memref_slice %arg8[%dma_start3A_116, %dma_start3A_117] : memref<10240x64xf32, #tpu.memory_space<vmem_shared>> -> memref<10240x64xf32, #tpu.memory_space<vmem_shared>>
        tpu.enqueue_indirect_dma source(%dma_start3A_118 : memref<10240x64xf32, #tpu.memory_space<vmem_shared>>) target(%arg11 : memref<128x64xf32, #tpu.memory_space<vmem>>) offsets(%dma_start3A_115 : memref<128xi32, #tpu.memory_space<vmem>>) semaphore(%run_scoped3A_112 : memref<!tpu.dma_semaphore, #tpu.memory_space<semaphore_mem>>)
        %dma_wait3A_119 = arith.constant 0 : i32
        %dma_wait3A_120 = tpu.memref_slice %arg9[%add3A_80, %dma_wait3A_119] : memref<80x128xi32, #tpu.memory_space<vmem>> -> memref<1x128xi32, #tpu.memory_space<vmem>>
        %dma_wait3A_121 = tpu.memref_squeeze %dma_wait3A_120 : memref<1x128xi32, #tpu.memory_space<vmem>> -> memref<128xi32, #tpu.memory_space<vmem>>
        %dma_wait3A_122 = arith.constant 0 : i32
        %dma_wait3A_123 = arith.constant 0 : i32
        %dma_wait3A_124 = tpu.memref_slice %arg8[%dma_wait3A_122, %dma_wait3A_123] : memref<10240x64xf32, #tpu.memory_space<vmem_shared>> -> memref<10240x64xf32, #tpu.memory_space<vmem_shared>>
        tpu.wait_indirect_dma semaphore(%run_scoped3A_112 : memref<!tpu.dma_semaphore, #tpu.memory_space<semaphore_mem>>) src(%dma_wait3A_124 : memref<10240x64xf32, #tpu.memory_space<vmem_shared>>) dst(%arg11 : memref<128x64xf32, #tpu.memory_space<vmem>>)
        tpu.yield
      }) : () -> ()
      %dma_start3A_88 = arith.constant 0 : i32
      %dma_start3A_89 = tpu.memref_slice %arg10[%add3A_80, %dma_start3A_88] : memref<80x128xi32, #tpu.memory_space<vmem>> -> memref<1x128xi32, #tpu.memory_space<vmem>>
      %dma_start3A_90 = tpu.memref_squeeze %dma_start3A_89 : memref<1x128xi32, #tpu.memory_space<vmem>> -> memref<128xi32, #tpu.memory_space<vmem>>
      %dma_start3A_91 = arith.constant 0 : i32
      %dma_start3A_92 = arith.constant 0 : i32
      %dma_start3A_93 = tpu.memref_slice %arg7[%dma_start3A_91, %dma_start3A_92] : memref<10240x64xf32, #tpu.memory_space<vmem_shared>> -> memref<10240x64xf32, #tpu.memory_space<vmem_shared>>
      tpu.enqueue_indirect_dma source(%arg11 : memref<128x64xf32, #tpu.memory_space<vmem>>) target(%dma_start3A_93 : memref<10240x64xf32, #tpu.memory_space<vmem_shared>>) offsets(%dma_start3A_90 : memref<128xi32, #tpu.memory_space<vmem>>) semaphore(%arg13 : memref<!tpu.dma_semaphore, #tpu.memory_space<semaphore_mem>>) {add = true}
      %mul3A_94 = arith.constant 2 : i32
      %mul3A_95 = arith.muli %mul3A_94, %scan3A_76 : i32
      %add3A_96 = arith.constant 1 : i32
      %add3A_97 = arith.addi %mul3A_95, %add3A_96 : i32
      %sub3A_98 = arith.constant 2 : i32
      %sub3A_99 = arith.subi %add3A_97, %sub3A_98 : i32
      %dma_wait3A_100 = arith.constant 0 : i32
      %dma_wait3A_101 = tpu.memref_slice %arg10[%sub3A_99, %dma_wait3A_100] : memref<80x128xi32, #tpu.memory_space<vmem>> -> memref<1x128xi32, #tpu.memory_space<vmem>>
      %dma_wait3A_102 = tpu.memref_squeeze %dma_wait3A_101 : memref<1x128xi32, #tpu.memory_space<vmem>> -> memref<128xi32, #tpu.memory_space<vmem>>
      %dma_wait3A_103 = arith.constant 0 : i32
      %dma_wait3A_104 = arith.constant 0 : i32
      %dma_wait3A_105 = tpu.memref_slice %arg7[%dma_wait3A_103, %dma_wait3A_104] : memref<10240x64xf32, #tpu.memory_space<vmem_shared>> -> memref<10240x64xf32, #tpu.memory_space<vmem_shared>>
      tpu.wait_indirect_dma semaphore(%arg14 : memref<!tpu.dma_semaphore, #tpu.memory_space<semaphore_mem>>) src(%arg12 : memref<128x64xf32, #tpu.memory_space<vmem>>) dst(%dma_wait3A_105 : memref<10240x64xf32, #tpu.memory_space<vmem_shared>>)
      "tpu.region"() ({
        %run_scoped3A_112 = tpu.sem_alloc : memref<!tpu.dma_semaphore, #tpu.memory_space<semaphore_mem>>
        %dma_start3A_113 = arith.constant 0 : i32
        %dma_start3A_114 = tpu.memref_slice %arg9[%add3A_97, %dma_start3A_113] : memref<80x128xi32, #tpu.memory_space<vmem>> -> memref<1x128xi32, #tpu.memory_space<vmem>>
        %dma_start3A_115 = tpu.memref_squeeze %dma_start3A_114 : memref<1x128xi32, #tpu.memory_space<vmem>> -> memref<128xi32, #tpu.memory_space<vmem>>
        %dma_start3A_116 = arith.constant 0 : i32
        %dma_start3A_117 = arith.constant 0 : i32
        %dma_start3A_118 = tpu.memref_slice %arg8[%dma_start3A_116, %dma_start3A_117] : memref<10240x64xf32, #tpu.memory_space<vmem_shared>> -> memref<10240x64xf32, #tpu.memory_space<vmem_shared>>
        tpu.enqueue_indirect_dma source(%dma_start3A_118 : memref<10240x64xf32, #tpu.memory_space<vmem_shared>>) target(%arg12 : memref<128x64xf32, #tpu.memory_space<vmem>>) offsets(%dma_start3A_115 : memref<128xi32, #tpu.memory_space<vmem>>) semaphore(%run_scoped3A_112 : memref<!tpu.dma_semaphore, #tpu.memory_space<semaphore_mem>>)
        %dma_wait3A_119 = arith.constant 0 : i32
        %dma_wait3A_120 = tpu.memref_slice %arg9[%add3A_97, %dma_wait3A_119] : memref<80x128xi32, #tpu.memory_space<vmem>> -> memref<1x128xi32, #tpu.memory_space<vmem>>
        %dma_wait3A_121 = tpu.memref_squeeze %dma_wait3A_120 : memref<1x128xi32, #tpu.memory_space<vmem>> -> memref<128xi32, #tpu.memory_space<vmem>>
        %dma_wait3A_122 = arith.constant 0 : i32
        %dma_wait3A_123 = arith.constant 0 : i32
        %dma_wait3A_124 = tpu.memref_slice %arg8[%dma_wait3A_122, %dma_wait3A_123] : memref<10240x64xf32, #tpu.memory_space<vmem_shared>> -> memref<10240x64xf32, #tpu.memory_space<vmem_shared>>
        tpu.wait_indirect_dma semaphore(%run_scoped3A_112 : memref<!tpu.dma_semaphore, #tpu.memory_space<semaphore_mem>>) src(%dma_wait3A_124 : memref<10240x64xf32, #tpu.memory_space<vmem_shared>>) dst(%arg12 : memref<128x64xf32, #tpu.memory_space<vmem>>)
        tpu.yield
      }) : () -> ()
      %dma_start3A_106 = arith.constant 0 : i32
      %dma_start3A_107 = tpu.memref_slice %arg10[%add3A_97, %dma_start3A_106] : memref<80x128xi32, #tpu.memory_space<vmem>> -> memref<1x128xi32, #tpu.memory_space<vmem>>
      %dma_start3A_108 = tpu.memref_squeeze %dma_start3A_107 : memref<1x128xi32, #tpu.memory_space<vmem>> -> memref<128xi32, #tpu.memory_space<vmem>>
      %dma_start3A_109 = arith.constant 0 : i32
      %dma_start3A_110 = arith.constant 0 : i32
      %dma_start3A_111 = tpu.memref_slice %arg7[%dma_start3A_109, %dma_start3A_110] : memref<10240x64xf32, #tpu.memory_space<vmem_shared>> -> memref<10240x64xf32, #tpu.memory_space<vmem_shared>>
      tpu.enqueue_indirect_dma source(%arg12 : memref<128x64xf32, #tpu.memory_space<vmem>>) target(%dma_start3A_111 : memref<10240x64xf32, #tpu.memory_space<vmem_shared>>) offsets(%dma_start3A_108 : memref<128xi32, #tpu.memory_space<vmem>>) semaphore(%arg14 : memref<!tpu.dma_semaphore, #tpu.memory_space<semaphore_mem>>) {add = true}
    }
    %scan3A_56 = arith.constant 39 : i32
    %dma_wait3A_57 = arith.constant 78 : i32
    %dma_wait3A_58 = arith.constant 0 : i32
    %dma_wait3A_59 = tpu.memref_slice %arg10[%dma_wait3A_57, %dma_wait3A_58] : memref<80x128xi32, #tpu.memory_space<vmem>> -> memref<1x128xi32, #tpu.memory_space<vmem>>
    %dma_wait3A_60 = tpu.memref_squeeze %dma_wait3A_59 : memref<1x128xi32, #tpu.memory_space<vmem>> -> memref<128xi32, #tpu.memory_space<vmem>>
    %dma_wait3A_61 = arith.constant 0 : i32
    %dma_wait3A_62 = arith.constant 0 : i32
    %dma_wait3A_63 = tpu.memref_slice %arg7[%dma_wait3A_61, %dma_wait3A_62] : memref<10240x64xf32, #tpu.memory_space<vmem_shared>> -> memref<10240x64xf32, #tpu.memory_space<vmem_shared>>
    tpu.wait_indirect_dma semaphore(%arg13 : memref<!tpu.dma_semaphore, #tpu.memory_space<semaphore_mem>>) src(%arg11 : memref<128x64xf32, #tpu.memory_space<vmem>>) dst(%dma_wait3A_63 : memref<10240x64xf32, #tpu.memory_space<vmem_shared>>)
    %dma_wait3A_64 = arith.constant 79 : i32
    %dma_wait3A_65 = arith.constant 0 : i32
    %dma_wait3A_66 = tpu.memref_slice %arg10[%dma_wait3A_64, %dma_wait3A_65] : memref<80x128xi32, #tpu.memory_space<vmem>> -> memref<1x128xi32, #tpu.memory_space<vmem>>
    %dma_wait3A_67 = tpu.memref_squeeze %dma_wait3A_66 : memref<1x128xi32, #tpu.memory_space<vmem>> -> memref<128xi32, #tpu.memory_space<vmem>>
    %dma_wait3A_68 = arith.constant 0 : i32
    %dma_wait3A_69 = arith.constant 0 : i32
    %dma_wait3A_70 = tpu.memref_slice %arg7[%dma_wait3A_68, %dma_wait3A_69] : memref<10240x64xf32, #tpu.memory_space<vmem_shared>> -> memref<10240x64xf32, #tpu.memory_space<vmem_shared>>
    tpu.wait_indirect_dma semaphore(%arg14 : memref<!tpu.dma_semaphore, #tpu.memory_space<semaphore_mem>>) src(%arg12 : memref<128x64xf32, #tpu.memory_space<vmem>>) dst(%dma_wait3A_70 : memref<10240x64xf32, #tpu.memory_space<vmem_shared>>)
    %barrier3A_71 = arith.constant 0 : index
    tpu.barrier barrier_id(%barrier3A_71)
    %mul3A_72 = arith.constant 640 : i32
    %mul3A_73 = arith.muli %arg1, %mul3A_72 : i32
    %mul3A_74 = arith.constant 640 : i32
    %mul3A_75 = arith.muli %arg1, %mul3A_74 : i32
    "tpu.region"() ({
      %run_scoped3A_76 = tpu.sem_alloc : memref<!tpu.dma_semaphore, #tpu.memory_space<semaphore_mem>>
      %dma_start3A_77 = arith.constant 0 : i32
      %dma_start3A_78 = tpu.memref_slice %arg6[%arg0, %mul3A_75, %dma_start3A_77] : memref<2x10240x64xf32, #tpu.memory_space<hbm>> -> memref<1x640x64xf32, #tpu.memory_space<hbm>>
      %dma_start3A_79 = tpu.memref_squeeze %dma_start3A_78 : memref<1x640x64xf32, #tpu.memory_space<hbm>> -> memref<640x64xf32, #tpu.memory_space<hbm>>
      %dma_start3A_80 = arith.constant 0 : i32
      %dma_start3A_81 = tpu.memref_slice %arg7[%mul3A_73, %dma_start3A_80] : memref<10240x64xf32, #tpu.memory_space<vmem_shared>> -> memref<640x64xf32, #tpu.memory_space<vmem_shared>>
      tpu.enqueue_dma source(%dma_start3A_81 : memref<640x64xf32, #tpu.memory_space<vmem_shared>>) target(%dma_start3A_79 : memref<640x64xf32, #tpu.memory_space<hbm>>) target_semaphore(%run_scoped3A_76 : memref<!tpu.dma_semaphore, #tpu.memory_space<semaphore_mem>>)
      %dma_wait3A_82 = arith.constant 0 : i32
      %dma_wait3A_83 = tpu.memref_slice %arg6[%arg0, %mul3A_75, %dma_wait3A_82] : memref<2x10240x64xf32, #tpu.memory_space<hbm>> -> memref<1x640x64xf32, #tpu.memory_space<hbm>>
      %dma_wait3A_84 = tpu.memref_squeeze %dma_wait3A_83 : memref<1x640x64xf32, #tpu.memory_space<hbm>> -> memref<640x64xf32, #tpu.memory_space<hbm>>
      %dma_wait3A_85 = arith.constant 0 : i32
      %dma_wait3A_86 = tpu.memref_slice %arg7[%mul3A_73, %dma_wait3A_85] : memref<10240x64xf32, #tpu.memory_space<vmem_shared>> -> memref<640x64xf32, #tpu.memory_space<vmem_shared>>
      tpu.wait_dma2 semaphore(%run_scoped3A_76 : memref<!tpu.dma_semaphore, #tpu.memory_space<semaphore_mem>>) src(%dma_wait3A_86 : memref<640x64xf32, #tpu.memory_space<vmem_shared>>) dst(%dma_wait3A_84 : memref<640x64xf32, #tpu.memory_space<hbm>>)
      tpu.yield
    }) : () -> ()
    return
  }
}

#map = affine_map<(d0, d1) -> (0, 0)>
#map1 = affine_map<(d0, d1) -> (0, 0, 0)>
module attributes {stable_mosaic.version = 14 : i64} {
  func.func @spmm8(%arg0: i32, %arg1: i32, %arg2: memref<10240x8xf32, #tpu.memory_space<hbm>>, %arg3: memref<2560x128xi32, #tpu.memory_space<hbm>>, %arg4: memref<2560x128xi32, #tpu.memory_space<hbm>>, %arg5: memref<640x8xf32, #tpu.memory_space<hbm>>, %arg6: memref<2x10240x8xf32, #tpu.memory_space<hbm>>, %arg7: memref<10240x8xf32, #tpu.memory_space<vmem_shared>>, %arg8: memref<10240x8xf32, #tpu.memory_space<vmem_shared>>, %arg9: memref<80x128xi32, #tpu.memory_space<vmem>>, %arg10: memref<80x128xi32, #tpu.memory_space<vmem>>, %arg11: memref<128x8xf32, #tpu.memory_space<vmem>>, %arg12: memref<128x8xf32, #tpu.memory_space<vmem>>, %arg13: memref<128x8xf32, #tpu.memory_space<vmem>>, %arg14: memref<128x8xf32, #tpu.memory_space<vmem>>, %arg15: memref<!tpu.dma_semaphore, #tpu.memory_space<semaphore_mem>>, %arg16: memref<!tpu.dma_semaphore, #tpu.memory_space<semaphore_mem>>, %arg17: memref<!tpu.dma_semaphore, #tpu.memory_space<semaphore_mem>>, %arg18: memref<!tpu.dma_semaphore, #tpu.memory_space<semaphore_mem>>, %arg19: memref<!tpu.dma_semaphore, #tpu.memory_space<semaphore_mem>>, %arg20: memref<!tpu.dma_semaphore, #tpu.memory_space<semaphore_mem>>) attributes {dimension_semantics = [#tpu.dimension_semantics<core_parallel>, #tpu.dimension_semantics<subcore_parallel>], iteration_bounds = array<i64: 2, 16>, scalar_prefetch = 0 : i64, scratch_operands = 14 : i64, tpu.core_type = #tpu.core_type<sc_vector_subcore>, window_params = [{transform_indices = #map}, {transform_indices = #map}, {transform_indices = #map}, {transform_indices = #map}, {transform_indices = #map1}]} {
    %mul3A = arith.constant 2 : i32
    %mul3A_0 = arith.muli %arg1, %mul3A : i32
    %add3A = arith.addi %mul3A_0, %arg0 : i32
    %mul3A_1 = arith.constant 80 : i32
    %mul3A_2 = arith.muli %add3A, %mul3A_1 : i32
    %dma_start3A = arith.constant 0 : i32
    %dma_start3A_3 = tpu.memref_slice %arg3[%mul3A_2, %dma_start3A] : memref<2560x128xi32, #tpu.memory_space<hbm>> -> memref<80x128xi32, #tpu.memory_space<hbm>>
    %dma_start3A_4 = arith.constant 0 : i32
    %dma_start3A_5 = tpu.memref_slice %arg3[%mul3A_2, %dma_start3A_4] : memref<2560x128xi32, #tpu.memory_space<hbm>> -> memref<80x128xi32, #tpu.memory_space<hbm>>
    tpu.enqueue_dma source(%dma_start3A_5 : memref<80x128xi32, #tpu.memory_space<hbm>>) target(%arg9 : memref<80x128xi32, #tpu.memory_space<vmem>>) target_semaphore(%arg15 : memref<!tpu.dma_semaphore, #tpu.memory_space<semaphore_mem>>)
    %mul3A_6 = arith.constant 80 : i32
    %mul3A_7 = arith.muli %add3A, %mul3A_6 : i32
    %dma_start3A_8 = arith.constant 0 : i32
    %dma_start3A_9 = tpu.memref_slice %arg4[%mul3A_7, %dma_start3A_8] : memref<2560x128xi32, #tpu.memory_space<hbm>> -> memref<80x128xi32, #tpu.memory_space<hbm>>
    %dma_start3A_10 = arith.constant 0 : i32
    %dma_start3A_11 = tpu.memref_slice %arg4[%mul3A_7, %dma_start3A_10] : memref<2560x128xi32, #tpu.memory_space<hbm>> -> memref<80x128xi32, #tpu.memory_space<hbm>>
    tpu.enqueue_dma source(%dma_start3A_11 : memref<80x128xi32, #tpu.memory_space<hbm>>) target(%arg10 : memref<80x128xi32, #tpu.memory_space<vmem>>) target_semaphore(%arg16 : memref<!tpu.dma_semaphore, #tpu.memory_space<semaphore_mem>>)
    %mul3A_12 = arith.constant 640 : i32
    %mul3A_13 = arith.muli %arg1, %mul3A_12 : i32
    %dma_start3A_14 = arith.constant 0 : i32
    %dma_start3A_15 = tpu.memref_slice %arg7[%mul3A_13, %dma_start3A_14] : memref<10240x8xf32, #tpu.memory_space<vmem_shared>> -> memref<640x8xf32, #tpu.memory_space<vmem_shared>>
    tpu.enqueue_dma source(%arg5 : memref<640x8xf32, #tpu.memory_space<hbm>>) target(%dma_start3A_15 : memref<640x8xf32, #tpu.memory_space<vmem_shared>>) target_semaphore(%arg19 : memref<!tpu.dma_semaphore, #tpu.memory_space<semaphore_mem>>)
    %mul3A_16 = arith.constant 640 : i32
    %mul3A_17 = arith.muli %arg1, %mul3A_16 : i32
    %mul3A_18 = arith.constant 640 : i32
    %mul3A_19 = arith.muli %arg1, %mul3A_18 : i32
    %dma_start3A_20 = arith.constant 0 : i32
    %dma_start3A_21 = tpu.memref_slice %arg8[%mul3A_19, %dma_start3A_20] : memref<10240x8xf32, #tpu.memory_space<vmem_shared>> -> memref<640x8xf32, #tpu.memory_space<vmem_shared>>
    %dma_start3A_22 = arith.constant 0 : i32
    %dma_start3A_23 = tpu.memref_slice %arg2[%mul3A_17, %dma_start3A_22] : memref<10240x8xf32, #tpu.memory_space<hbm>> -> memref<640x8xf32, #tpu.memory_space<hbm>>
    tpu.enqueue_dma source(%dma_start3A_23 : memref<640x8xf32, #tpu.memory_space<hbm>>) target(%dma_start3A_21 : memref<640x8xf32, #tpu.memory_space<vmem_shared>>) target_semaphore(%arg20 : memref<!tpu.dma_semaphore, #tpu.memory_space<semaphore_mem>>)
    %dma_wait3A = arith.constant 0 : i32
    %dma_wait3A_24 = tpu.memref_slice %arg3[%mul3A_2, %dma_wait3A] : memref<2560x128xi32, #tpu.memory_space<hbm>> -> memref<80x128xi32, #tpu.memory_space<hbm>>
    %dma_wait3A_25 = arith.constant 0 : i32
    %dma_wait3A_26 = tpu.memref_slice %arg3[%mul3A_2, %dma_wait3A_25] : memref<2560x128xi32, #tpu.memory_space<hbm>> -> memref<80x128xi32, #tpu.memory_space<hbm>>
    tpu.wait_dma2 semaphore(%arg15 : memref<!tpu.dma_semaphore, #tpu.memory_space<semaphore_mem>>) src(%dma_wait3A_26 : memref<80x128xi32, #tpu.memory_space<hbm>>) dst(%arg9 : memref<80x128xi32, #tpu.memory_space<vmem>>)
    %dma_wait3A_27 = arith.constant 0 : i32
    %dma_wait3A_28 = tpu.memref_slice %arg4[%mul3A_7, %dma_wait3A_27] : memref<2560x128xi32, #tpu.memory_space<hbm>> -> memref<80x128xi32, #tpu.memory_space<hbm>>
    %dma_wait3A_29 = arith.constant 0 : i32
    %dma_wait3A_30 = tpu.memref_slice %arg4[%mul3A_7, %dma_wait3A_29] : memref<2560x128xi32, #tpu.memory_space<hbm>> -> memref<80x128xi32, #tpu.memory_space<hbm>>
    tpu.wait_dma2 semaphore(%arg16 : memref<!tpu.dma_semaphore, #tpu.memory_space<semaphore_mem>>) src(%dma_wait3A_30 : memref<80x128xi32, #tpu.memory_space<hbm>>) dst(%arg10 : memref<80x128xi32, #tpu.memory_space<vmem>>)
    %dma_wait3A_31 = arith.constant 0 : i32
    %dma_wait3A_32 = tpu.memref_slice %arg7[%mul3A_13, %dma_wait3A_31] : memref<10240x8xf32, #tpu.memory_space<vmem_shared>> -> memref<640x8xf32, #tpu.memory_space<vmem_shared>>
    tpu.wait_dma2 semaphore(%arg19 : memref<!tpu.dma_semaphore, #tpu.memory_space<semaphore_mem>>) src(%arg5 : memref<640x8xf32, #tpu.memory_space<hbm>>) dst(%dma_wait3A_32 : memref<640x8xf32, #tpu.memory_space<vmem_shared>>)
    %dma_wait3A_33 = arith.constant 0 : i32
    %dma_wait3A_34 = tpu.memref_slice %arg8[%mul3A_19, %dma_wait3A_33] : memref<10240x8xf32, #tpu.memory_space<vmem_shared>> -> memref<640x8xf32, #tpu.memory_space<vmem_shared>>
    %dma_wait3A_35 = arith.constant 0 : i32
    %dma_wait3A_36 = tpu.memref_slice %arg2[%mul3A_17, %dma_wait3A_35] : memref<10240x8xf32, #tpu.memory_space<hbm>> -> memref<640x8xf32, #tpu.memory_space<hbm>>
    tpu.wait_dma2 semaphore(%arg20 : memref<!tpu.dma_semaphore, #tpu.memory_space<semaphore_mem>>) src(%dma_wait3A_36 : memref<640x8xf32, #tpu.memory_space<hbm>>) dst(%dma_wait3A_34 : memref<640x8xf32, #tpu.memory_space<vmem_shared>>)
    %barrier3A = arith.constant 0 : index
    tpu.barrier barrier_id(%barrier3A)
    %run_scoped3A = arith.constant 0 : i32
    "tpu.region"() ({
      %run_scoped3A_76 = tpu.sem_alloc : memref<!tpu.dma_semaphore, #tpu.memory_space<semaphore_mem>>
      %dma_start3A_77 = arith.constant 0 : i32
      %dma_start3A_78 = tpu.memref_slice %arg9[%run_scoped3A, %dma_start3A_77] : memref<80x128xi32, #tpu.memory_space<vmem>> -> memref<1x128xi32, #tpu.memory_space<vmem>>
      %dma_start3A_79 = tpu.memref_squeeze %dma_start3A_78 : memref<1x128xi32, #tpu.memory_space<vmem>> -> memref<128xi32, #tpu.memory_space<vmem>>
      %dma_start3A_80 = arith.constant 0 : i32
      %dma_start3A_81 = arith.constant 0 : i32
      %dma_start3A_82 = tpu.memref_slice %arg8[%dma_start3A_80, %dma_start3A_81] : memref<10240x8xf32, #tpu.memory_space<vmem_shared>> -> memref<10240x8xf32, #tpu.memory_space<vmem_shared>>
      tpu.enqueue_indirect_dma source(%dma_start3A_82 : memref<10240x8xf32, #tpu.memory_space<vmem_shared>>) target(%arg11 : memref<128x8xf32, #tpu.memory_space<vmem>>) offsets(%dma_start3A_79 : memref<128xi32, #tpu.memory_space<vmem>>) semaphore(%run_scoped3A_76 : memref<!tpu.dma_semaphore, #tpu.memory_space<semaphore_mem>>)
      %dma_wait3A_83 = arith.constant 0 : i32
      %dma_wait3A_84 = tpu.memref_slice %arg9[%run_scoped3A, %dma_wait3A_83] : memref<80x128xi32, #tpu.memory_space<vmem>> -> memref<1x128xi32, #tpu.memory_space<vmem>>
      %dma_wait3A_85 = tpu.memref_squeeze %dma_wait3A_84 : memref<1x128xi32, #tpu.memory_space<vmem>> -> memref<128xi32, #tpu.memory_space<vmem>>
      %dma_wait3A_86 = arith.constant 0 : i32
      %dma_wait3A_87 = arith.constant 0 : i32
      %dma_wait3A_88 = tpu.memref_slice %arg8[%dma_wait3A_86, %dma_wait3A_87] : memref<10240x8xf32, #tpu.memory_space<vmem_shared>> -> memref<10240x8xf32, #tpu.memory_space<vmem_shared>>
      tpu.wait_indirect_dma semaphore(%run_scoped3A_76 : memref<!tpu.dma_semaphore, #tpu.memory_space<semaphore_mem>>) src(%dma_wait3A_88 : memref<10240x8xf32, #tpu.memory_space<vmem_shared>>) dst(%arg11 : memref<128x8xf32, #tpu.memory_space<vmem>>)
      tpu.yield
    }) : () -> ()
    %dma_start3A_37 = arith.constant 0 : i32
    %dma_start3A_38 = arith.constant 0 : i32
    %dma_start3A_39 = tpu.memref_slice %arg10[%dma_start3A_37, %dma_start3A_38] : memref<80x128xi32, #tpu.memory_space<vmem>> -> memref<1x128xi32, #tpu.memory_space<vmem>>
    %dma_start3A_40 = tpu.memref_squeeze %dma_start3A_39 : memref<1x128xi32, #tpu.memory_space<vmem>> -> memref<128xi32, #tpu.memory_space<vmem>>
    %dma_start3A_41 = arith.constant 0 : i32
    %dma_start3A_42 = arith.constant 0 : i32
    %dma_start3A_43 = tpu.memref_slice %arg7[%dma_start3A_41, %dma_start3A_42] : memref<10240x8xf32, #tpu.memory_space<vmem_shared>> -> memref<10240x8xf32, #tpu.memory_space<vmem_shared>>
    tpu.enqueue_indirect_dma source(%arg11 : memref<128x8xf32, #tpu.memory_space<vmem>>) target(%dma_start3A_43 : memref<10240x8xf32, #tpu.memory_space<vmem_shared>>) offsets(%dma_start3A_40 : memref<128xi32, #tpu.memory_space<vmem>>) semaphore(%arg15 : memref<!tpu.dma_semaphore, #tpu.memory_space<semaphore_mem>>) {add = true}
    %run_scoped3A_44 = arith.constant 1 : i32
    "tpu.region"() ({
      %run_scoped3A_76 = tpu.sem_alloc : memref<!tpu.dma_semaphore, #tpu.memory_space<semaphore_mem>>
      %dma_start3A_77 = arith.constant 0 : i32
      %dma_start3A_78 = tpu.memref_slice %arg9[%run_scoped3A_44, %dma_start3A_77] : memref<80x128xi32, #tpu.memory_space<vmem>> -> memref<1x128xi32, #tpu.memory_space<vmem>>
      %dma_start3A_79 = tpu.memref_squeeze %dma_start3A_78 : memref<1x128xi32, #tpu.memory_space<vmem>> -> memref<128xi32, #tpu.memory_space<vmem>>
      %dma_start3A_80 = arith.constant 0 : i32
      %dma_start3A_81 = arith.constant 0 : i32
      %dma_start3A_82 = tpu.memref_slice %arg8[%dma_start3A_80, %dma_start3A_81] : memref<10240x8xf32, #tpu.memory_space<vmem_shared>> -> memref<10240x8xf32, #tpu.memory_space<vmem_shared>>
      tpu.enqueue_indirect_dma source(%dma_start3A_82 : memref<10240x8xf32, #tpu.memory_space<vmem_shared>>) target(%arg12 : memref<128x8xf32, #tpu.memory_space<vmem>>) offsets(%dma_start3A_79 : memref<128xi32, #tpu.memory_space<vmem>>) semaphore(%run_scoped3A_76 : memref<!tpu.dma_semaphore, #tpu.memory_space<semaphore_mem>>)
      %dma_wait3A_83 = arith.constant 0 : i32
      %dma_wait3A_84 = tpu.memref_slice %arg9[%run_scoped3A_44, %dma_wait3A_83] : memref<80x128xi32, #tpu.memory_space<vmem>> -> memref<1x128xi32, #tpu.memory_space<vmem>>
      %dma_wait3A_85 = tpu.memref_squeeze %dma_wait3A_84 : memref<1x128xi32, #tpu.memory_space<vmem>> -> memref<128xi32, #tpu.memory_space<vmem>>
      %dma_wait3A_86 = arith.constant 0 : i32
      %dma_wait3A_87 = arith.constant 0 : i32
      %dma_wait3A_88 = tpu.memref_slice %arg8[%dma_wait3A_86, %dma_wait3A_87] : memref<10240x8xf32, #tpu.memory_space<vmem_shared>> -> memref<10240x8xf32, #tpu.memory_space<vmem_shared>>
      tpu.wait_indirect_dma semaphore(%run_scoped3A_76 : memref<!tpu.dma_semaphore, #tpu.memory_space<semaphore_mem>>) src(%dma_wait3A_88 : memref<10240x8xf32, #tpu.memory_space<vmem_shared>>) dst(%arg12 : memref<128x8xf32, #tpu.memory_space<vmem>>)
      tpu.yield
    }) : () -> ()
    %dma_start3A_45 = arith.constant 1 : i32
    %dma_start3A_46 = arith.constant 0 : i32
    %dma_start3A_47 = tpu.memref_slice %arg10[%dma_start3A_45, %dma_start3A_46] : memref<80x128xi32, #tpu.memory_space<vmem>> -> memref<1x128xi32, #tpu.memory_space<vmem>>
    %dma_start3A_48 = tpu.memref_squeeze %dma_start3A_47 : memref<1x128xi32, #tpu.memory_space<vmem>> -> memref<128xi32, #tpu.memory_space<vmem>>
    %dma_start3A_49 = arith.constant 0 : i32
    %dma_start3A_50 = arith.constant 0 : i32
    %dma_start3A_51 = tpu.memref_slice %arg7[%dma_start3A_49, %dma_start3A_50] : memref<10240x8xf32, #tpu.memory_space<vmem_shared>> -> memref<10240x8xf32, #tpu.memory_space<vmem_shared>>
    tpu.enqueue_indirect_dma source(%arg12 : memref<128x8xf32, #tpu.memory_space<vmem>>) target(%dma_start3A_51 : memref<10240x8xf32, #tpu.memory_space<vmem_shared>>) offsets(%dma_start3A_48 : memref<128xi32, #tpu.memory_space<vmem>>) semaphore(%arg16 : memref<!tpu.dma_semaphore, #tpu.memory_space<semaphore_mem>>) {add = true}
    %scan3A = arith.constant 0 : i32
    %scan3A_52 = arith.constant 1 : i32
    %scan3A_53 = arith.constant 39 : i32
    %scan3A_54 = arith.addi %scan3A_52, %scan3A_53 : i32
    %scan3A_55 = arith.constant 1 : i32
    scf.for %scan3A_76 = %scan3A_52 to %scan3A_54 step %scan3A_55  : i32 {
      %mul3A_77 = arith.constant 2 : i32
      %mul3A_78 = arith.muli %mul3A_77, %scan3A_76 : i32
      %add3A_79 = arith.constant 0 : i32
      %add3A_80 = arith.addi %mul3A_78, %add3A_79 : i32
      %sub3A = arith.constant 2 : i32
      %sub3A_81 = arith.subi %add3A_80, %sub3A : i32
      %dma_wait3A_82 = arith.constant 0 : i32
      %dma_wait3A_83 = tpu.memref_slice %arg10[%sub3A_81, %dma_wait3A_82] : memref<80x128xi32, #tpu.memory_space<vmem>> -> memref<1x128xi32, #tpu.memory_space<vmem>>
      %dma_wait3A_84 = tpu.memref_squeeze %dma_wait3A_83 : memref<1x128xi32, #tpu.memory_space<vmem>> -> memref<128xi32, #tpu.memory_space<vmem>>
      %dma_wait3A_85 = arith.constant 0 : i32
      %dma_wait3A_86 = arith.constant 0 : i32
      %dma_wait3A_87 = tpu.memref_slice %arg7[%dma_wait3A_85, %dma_wait3A_86] : memref<10240x8xf32, #tpu.memory_space<vmem_shared>> -> memref<10240x8xf32, #tpu.memory_space<vmem_shared>>
      tpu.wait_indirect_dma semaphore(%arg15 : memref<!tpu.dma_semaphore, #tpu.memory_space<semaphore_mem>>) src(%arg11 : memref<128x8xf32, #tpu.memory_space<vmem>>) dst(%dma_wait3A_87 : memref<10240x8xf32, #tpu.memory_space<vmem_shared>>)
      "tpu.region"() ({
        %run_scoped3A_112 = tpu.sem_alloc : memref<!tpu.dma_semaphore, #tpu.memory_space<semaphore_mem>>
        %dma_start3A_113 = arith.constant 0 : i32
        %dma_start3A_114 = tpu.memref_slice %arg9[%add3A_80, %dma_start3A_113] : memref<80x128xi32, #tpu.memory_space<vmem>> -> memref<1x128xi32, #tpu.memory_space<vmem>>
        %dma_start3A_115 = tpu.memref_squeeze %dma_start3A_114 : memref<1x128xi32, #tpu.memory_space<vmem>> -> memref<128xi32, #tpu.memory_space<vmem>>
        %dma_start3A_116 = arith.constant 0 : i32
        %dma_start3A_117 = arith.constant 0 : i32
        %dma_start3A_118 = tpu.memref_slice %arg8[%dma_start3A_116, %dma_start3A_117] : memref<10240x8xf32, #tpu.memory_space<vmem_shared>> -> memref<10240x8xf32, #tpu.memory_space<vmem_shared>>
        tpu.enqueue_indirect_dma source(%dma_start3A_118 : memref<10240x8xf32, #tpu.memory_space<vmem_shared>>) target(%arg11 : memref<128x8xf32, #tpu.memory_space<vmem>>) offsets(%dma_start3A_115 : memref<128xi32, #tpu.memory_space<vmem>>) semaphore(%run_scoped3A_112 : memref<!tpu.dma_semaphore, #tpu.memory_space<semaphore_mem>>)
        %dma_wait3A_119 = arith.constant 0 : i32
        %dma_wait3A_120 = tpu.memref_slice %arg9[%add3A_80, %dma_wait3A_119] : memref<80x128xi32, #tpu.memory_space<vmem>> -> memref<1x128xi32, #tpu.memory_space<vmem>>
        %dma_wait3A_121 = tpu.memref_squeeze %dma_wait3A_120 : memref<1x128xi32, #tpu.memory_space<vmem>> -> memref<128xi32, #tpu.memory_space<vmem>>
        %dma_wait3A_122 = arith.constant 0 : i32
        %dma_wait3A_123 = arith.constant 0 : i32
        %dma_wait3A_124 = tpu.memref_slice %arg8[%dma_wait3A_122, %dma_wait3A_123] : memref<10240x8xf32, #tpu.memory_space<vmem_shared>> -> memref<10240x8xf32, #tpu.memory_space<vmem_shared>>
        tpu.wait_indirect_dma semaphore(%run_scoped3A_112 : memref<!tpu.dma_semaphore, #tpu.memory_space<semaphore_mem>>) src(%dma_wait3A_124 : memref<10240x8xf32, #tpu.memory_space<vmem_shared>>) dst(%arg11 : memref<128x8xf32, #tpu.memory_space<vmem>>)
        tpu.yield
      }) : () -> ()
      %dma_start3A_88 = arith.constant 0 : i32
      %dma_start3A_89 = tpu.memref_slice %arg10[%add3A_80, %dma_start3A_88] : memref<80x128xi32, #tpu.memory_space<vmem>> -> memref<1x128xi32, #tpu.memory_space<vmem>>
      %dma_start3A_90 = tpu.memref_squeeze %dma_start3A_89 : memref<1x128xi32, #tpu.memory_space<vmem>> -> memref<128xi32, #tpu.memory_space<vmem>>
      %dma_start3A_91 = arith.constant 0 : i32
      %dma_start3A_92 = arith.constant 0 : i32
      %dma_start3A_93 = tpu.memref_slice %arg7[%dma_start3A_91, %dma_start3A_92] : memref<10240x8xf32, #tpu.memory_space<vmem_shared>> -> memref<10240x8xf32, #tpu.memory_space<vmem_shared>>
      tpu.enqueue_indirect_dma source(%arg11 : memref<128x8xf32, #tpu.memory_space<vmem>>) target(%dma_start3A_93 : memref<10240x8xf32, #tpu.memory_space<vmem_shared>>) offsets(%dma_start3A_90 : memref<128xi32, #tpu.memory_space<vmem>>) semaphore(%arg15 : memref<!tpu.dma_semaphore, #tpu.memory_space<semaphore_mem>>) {add = true}
      %mul3A_94 = arith.constant 2 : i32
      %mul3A_95 = arith.muli %mul3A_94, %scan3A_76 : i32
      %add3A_96 = arith.constant 1 : i32
      %add3A_97 = arith.addi %mul3A_95, %add3A_96 : i32
      %sub3A_98 = arith.constant 2 : i32
      %sub3A_99 = arith.subi %add3A_97, %sub3A_98 : i32
      %dma_wait3A_100 = arith.constant 0 : i32
      %dma_wait3A_101 = tpu.memref_slice %arg10[%sub3A_99, %dma_wait3A_100] : memref<80x128xi32, #tpu.memory_space<vmem>> -> memref<1x128xi32, #tpu.memory_space<vmem>>
      %dma_wait3A_102 = tpu.memref_squeeze %dma_wait3A_101 : memref<1x128xi32, #tpu.memory_space<vmem>> -> memref<128xi32, #tpu.memory_space<vmem>>
      %dma_wait3A_103 = arith.constant 0 : i32
      %dma_wait3A_104 = arith.constant 0 : i32
      %dma_wait3A_105 = tpu.memref_slice %arg7[%dma_wait3A_103, %dma_wait3A_104] : memref<10240x8xf32, #tpu.memory_space<vmem_shared>> -> memref<10240x8xf32, #tpu.memory_space<vmem_shared>>
      tpu.wait_indirect_dma semaphore(%arg16 : memref<!tpu.dma_semaphore, #tpu.memory_space<semaphore_mem>>) src(%arg12 : memref<128x8xf32, #tpu.memory_space<vmem>>) dst(%dma_wait3A_105 : memref<10240x8xf32, #tpu.memory_space<vmem_shared>>)
      "tpu.region"() ({
        %run_scoped3A_112 = tpu.sem_alloc : memref<!tpu.dma_semaphore, #tpu.memory_space<semaphore_mem>>
        %dma_start3A_113 = arith.constant 0 : i32
        %dma_start3A_114 = tpu.memref_slice %arg9[%add3A_97, %dma_start3A_113] : memref<80x128xi32, #tpu.memory_space<vmem>> -> memref<1x128xi32, #tpu.memory_space<vmem>>
        %dma_start3A_115 = tpu.memref_squeeze %dma_start3A_114 : memref<1x128xi32, #tpu.memory_space<vmem>> -> memref<128xi32, #tpu.memory_space<vmem>>
        %dma_start3A_116 = arith.constant 0 : i32
        %dma_start3A_117 = arith.constant 0 : i32
        %dma_start3A_118 = tpu.memref_slice %arg8[%dma_start3A_116, %dma_start3A_117] : memref<10240x8xf32, #tpu.memory_space<vmem_shared>> -> memref<10240x8xf32, #tpu.memory_space<vmem_shared>>
        tpu.enqueue_indirect_dma source(%dma_start3A_118 : memref<10240x8xf32, #tpu.memory_space<vmem_shared>>) target(%arg12 : memref<128x8xf32, #tpu.memory_space<vmem>>) offsets(%dma_start3A_115 : memref<128xi32, #tpu.memory_space<vmem>>) semaphore(%run_scoped3A_112 : memref<!tpu.dma_semaphore, #tpu.memory_space<semaphore_mem>>)
        %dma_wait3A_119 = arith.constant 0 : i32
        %dma_wait3A_120 = tpu.memref_slice %arg9[%add3A_97, %dma_wait3A_119] : memref<80x128xi32, #tpu.memory_space<vmem>> -> memref<1x128xi32, #tpu.memory_space<vmem>>
        %dma_wait3A_121 = tpu.memref_squeeze %dma_wait3A_120 : memref<1x128xi32, #tpu.memory_space<vmem>> -> memref<128xi32, #tpu.memory_space<vmem>>
        %dma_wait3A_122 = arith.constant 0 : i32
        %dma_wait3A_123 = arith.constant 0 : i32
        %dma_wait3A_124 = tpu.memref_slice %arg8[%dma_wait3A_122, %dma_wait3A_123] : memref<10240x8xf32, #tpu.memory_space<vmem_shared>> -> memref<10240x8xf32, #tpu.memory_space<vmem_shared>>
        tpu.wait_indirect_dma semaphore(%run_scoped3A_112 : memref<!tpu.dma_semaphore, #tpu.memory_space<semaphore_mem>>) src(%dma_wait3A_124 : memref<10240x8xf32, #tpu.memory_space<vmem_shared>>) dst(%arg12 : memref<128x8xf32, #tpu.memory_space<vmem>>)
        tpu.yield
      }) : () -> ()
      %dma_start3A_106 = arith.constant 0 : i32
      %dma_start3A_107 = tpu.memref_slice %arg10[%add3A_97, %dma_start3A_106] : memref<80x128xi32, #tpu.memory_space<vmem>> -> memref<1x128xi32, #tpu.memory_space<vmem>>
      %dma_start3A_108 = tpu.memref_squeeze %dma_start3A_107 : memref<1x128xi32, #tpu.memory_space<vmem>> -> memref<128xi32, #tpu.memory_space<vmem>>
      %dma_start3A_109 = arith.constant 0 : i32
      %dma_start3A_110 = arith.constant 0 : i32
      %dma_start3A_111 = tpu.memref_slice %arg7[%dma_start3A_109, %dma_start3A_110] : memref<10240x8xf32, #tpu.memory_space<vmem_shared>> -> memref<10240x8xf32, #tpu.memory_space<vmem_shared>>
      tpu.enqueue_indirect_dma source(%arg12 : memref<128x8xf32, #tpu.memory_space<vmem>>) target(%dma_start3A_111 : memref<10240x8xf32, #tpu.memory_space<vmem_shared>>) offsets(%dma_start3A_108 : memref<128xi32, #tpu.memory_space<vmem>>) semaphore(%arg16 : memref<!tpu.dma_semaphore, #tpu.memory_space<semaphore_mem>>) {add = true}
    }
    %scan3A_56 = arith.constant 39 : i32
    %dma_wait3A_57 = arith.constant 78 : i32
    %dma_wait3A_58 = arith.constant 0 : i32
    %dma_wait3A_59 = tpu.memref_slice %arg10[%dma_wait3A_57, %dma_wait3A_58] : memref<80x128xi32, #tpu.memory_space<vmem>> -> memref<1x128xi32, #tpu.memory_space<vmem>>
    %dma_wait3A_60 = tpu.memref_squeeze %dma_wait3A_59 : memref<1x128xi32, #tpu.memory_space<vmem>> -> memref<128xi32, #tpu.memory_space<vmem>>
    %dma_wait3A_61 = arith.constant 0 : i32
    %dma_wait3A_62 = arith.constant 0 : i32
    %dma_wait3A_63 = tpu.memref_slice %arg7[%dma_wait3A_61, %dma_wait3A_62] : memref<10240x8xf32, #tpu.memory_space<vmem_shared>> -> memref<10240x8xf32, #tpu.memory_space<vmem_shared>>
    tpu.wait_indirect_dma semaphore(%arg15 : memref<!tpu.dma_semaphore, #tpu.memory_space<semaphore_mem>>) src(%arg11 : memref<128x8xf32, #tpu.memory_space<vmem>>) dst(%dma_wait3A_63 : memref<10240x8xf32, #tpu.memory_space<vmem_shared>>)
    %dma_wait3A_64 = arith.constant 79 : i32
    %dma_wait3A_65 = arith.constant 0 : i32
    %dma_wait3A_66 = tpu.memref_slice %arg10[%dma_wait3A_64, %dma_wait3A_65] : memref<80x128xi32, #tpu.memory_space<vmem>> -> memref<1x128xi32, #tpu.memory_space<vmem>>
    %dma_wait3A_67 = tpu.memref_squeeze %dma_wait3A_66 : memref<1x128xi32, #tpu.memory_space<vmem>> -> memref<128xi32, #tpu.memory_space<vmem>>
    %dma_wait3A_68 = arith.constant 0 : i32
    %dma_wait3A_69 = arith.constant 0 : i32
    %dma_wait3A_70 = tpu.memref_slice %arg7[%dma_wait3A_68, %dma_wait3A_69] : memref<10240x8xf32, #tpu.memory_space<vmem_shared>> -> memref<10240x8xf32, #tpu.memory_space<vmem_shared>>
    tpu.wait_indirect_dma semaphore(%arg16 : memref<!tpu.dma_semaphore, #tpu.memory_space<semaphore_mem>>) src(%arg12 : memref<128x8xf32, #tpu.memory_space<vmem>>) dst(%dma_wait3A_70 : memref<10240x8xf32, #tpu.memory_space<vmem_shared>>)
    %barrier3A_71 = arith.constant 0 : index
    tpu.barrier barrier_id(%barrier3A_71)
    %mul3A_72 = arith.constant 640 : i32
    %mul3A_73 = arith.muli %arg1, %mul3A_72 : i32
    %mul3A_74 = arith.constant 640 : i32
    %mul3A_75 = arith.muli %arg1, %mul3A_74 : i32
    "tpu.region"() ({
      %run_scoped3A_76 = tpu.sem_alloc : memref<!tpu.dma_semaphore, #tpu.memory_space<semaphore_mem>>
      %dma_start3A_77 = arith.constant 0 : i32
      %dma_start3A_78 = tpu.memref_slice %arg6[%arg0, %mul3A_75, %dma_start3A_77] : memref<2x10240x8xf32, #tpu.memory_space<hbm>> -> memref<1x640x8xf32, #tpu.memory_space<hbm>>
      %dma_start3A_79 = tpu.memref_squeeze %dma_start3A_78 : memref<1x640x8xf32, #tpu.memory_space<hbm>> -> memref<640x8xf32, #tpu.memory_space<hbm>>
      %dma_start3A_80 = arith.constant 0 : i32
      %dma_start3A_81 = tpu.memref_slice %arg7[%mul3A_73, %dma_start3A_80] : memref<10240x8xf32, #tpu.memory_space<vmem_shared>> -> memref<640x8xf32, #tpu.memory_space<vmem_shared>>
      tpu.enqueue_dma source(%dma_start3A_81 : memref<640x8xf32, #tpu.memory_space<vmem_shared>>) target(%dma_start3A_79 : memref<640x8xf32, #tpu.memory_space<hbm>>) target_semaphore(%run_scoped3A_76 : memref<!tpu.dma_semaphore, #tpu.memory_space<semaphore_mem>>)
      %dma_wait3A_82 = arith.constant 0 : i32
      %dma_wait3A_83 = tpu.memref_slice %arg6[%arg0, %mul3A_75, %dma_wait3A_82] : memref<2x10240x8xf32, #tpu.memory_space<hbm>> -> memref<1x640x8xf32, #tpu.memory_space<hbm>>
      %dma_wait3A_84 = tpu.memref_squeeze %dma_wait3A_83 : memref<1x640x8xf32, #tpu.memory_space<hbm>> -> memref<640x8xf32, #tpu.memory_space<hbm>>
      %dma_wait3A_85 = arith.constant 0 : i32
      %dma_wait3A_86 = tpu.memref_slice %arg7[%mul3A_73, %dma_wait3A_85] : memref<10240x8xf32, #tpu.memory_space<vmem_shared>> -> memref<640x8xf32, #tpu.memory_space<vmem_shared>>
      tpu.wait_dma2 semaphore(%run_scoped3A_76 : memref<!tpu.dma_semaphore, #tpu.memory_space<semaphore_mem>>) src(%dma_wait3A_86 : memref<640x8xf32, #tpu.memory_space<vmem_shared>>) dst(%dma_wait3A_84 : memref<640x8xf32, #tpu.memory_space<hbm>>)
      tpu.yield
    }) : () -> ()
    return
  }
}

module attributes {stable_mosaic.version = 14 : i64} {
  func.func @_tc1a_body(%arg0: i32, %arg1: memref<2048x128xf32, #tpu.memory_space<vmem>>, %arg2: memref<128x64xf32, #tpu.memory_space<vmem>>, %arg3: memref<2048x64xf32, #tpu.memory_space<vmem>>) attributes {dimension_semantics = [#tpu.dimension_semantics<arbitrary>], iteration_bounds = array<i64: 5>, scalar_prefetch = 0 : i64, scratch_operands = 0 : i64, tpu.core_type = #tpu.core_type<tc>, window_params = [{transform_indices = @transform_0, window_bounds = array<i64: 2048, 128>}, {pipeline_mode = #tpu.pipeline_mode<synchronous>, transform_indices = @transform_1, window_bounds = array<i64: 128, 64>}, {transform_indices = @transform_2, window_bounds = array<i64: 2048, 64>}]} {
    %get3A = arith.constant 0 : index
    %get3A_0 = arith.constant 0 : index
    %get3A_1 = vector.load %arg1[%get3A, %get3A_0] : memref<2048x128xf32, #tpu.memory_space<vmem>>, vector<2048x128xf32>
    %get3A_2 = arith.constant 0 : index
    %get3A_3 = arith.constant 0 : index
    %get3A_4 = vector.load %arg2[%get3A_2, %get3A_3] : memref<128x64xf32, #tpu.memory_space<vmem>>, vector<128x64xf32>
    %dot_general3A = arith.constant dense<0.000000e+00> : vector<2048x64xf32>
    %dot_general3A_5 = tpu.matmul %get3A_1, %get3A_4, %dot_general3A {dimension_numbers = #tpu.dot_dimension_numbers<[1], [0], [0], [1], [0, 0, 1, 1], [], []>, transpose_lhs_hint = false} : vector<2048x128xf32>, vector<128x64xf32>, vector<2048x64xf32> -> vector<2048x64xf32>
    %swap3A = arith.constant 0 : index
    %swap3A_6 = arith.constant 0 : index
    %swap3A_7 = vector.load %arg3[%swap3A, %swap3A_6] : memref<2048x64xf32, #tpu.memory_space<vmem>>, vector<2048x64xf32>
    tpu.vector_store %arg3[%swap3A, %swap3A_6], %dot_general3A_5 {strides = array<i32>} : memref<2048x64xf32, #tpu.memory_space<vmem>>, vector<2048x64xf32>,
    return
  }
  func.func @transform_0(%arg0: i32) -> (i32, i32) {
    %c0_i32 = arith.constant 0 : i32
    %c0_i32_0 = arith.constant 0 : i32
    return %arg0, %c0_i32 : i32, i32
  }
  func.func @transform_1(%arg0: i32) -> (i32, i32) {
    %c0_i32 = arith.constant 0 : i32
    %c0_i32_0 = arith.constant 0 : i32
    %c0_i32_1 = arith.constant 0 : i32
    return %c0_i32, %c0_i32_0 : i32, i32
  }
  func.func @transform_2(%arg0: i32) -> (i32, i32) {
    %c0_i32 = arith.constant 0 : i32
    %c0_i32_0 = arith.constant 0 : i32
    return %arg0, %c0_i32 : i32, i32
  }
}

module attributes {stable_mosaic.version = 14 : i64} {
  func.func @_tc1b_body(%arg0: i32, %arg1: memref<2048x64xf32, #tpu.memory_space<vmem>>, %arg2: memref<2x2048x8xf32, #tpu.memory_space<vmem>>, %arg3: memref<2048x64xf32, #tpu.memory_space<vmem>>) attributes {dimension_semantics = [#tpu.dimension_semantics<arbitrary>], iteration_bounds = array<i64: 5>, scalar_prefetch = 0 : i64, scratch_operands = 0 : i64, tpu.core_type = #tpu.core_type<tc>, window_params = [{transform_indices = @transform_0, window_bounds = array<i64: 2048, 64>}, {transform_indices = @transform_1, window_bounds = array<i64: 2, 2048, 8>}, {transform_indices = @transform_2, window_bounds = array<i64: 2048, 64>}]} {
    %get3A = arith.constant 0 : index
    %get3A_0 = arith.constant 0 : index
    %get3A_1 = vector.load %arg1[%get3A, %get3A_0] : memref<2048x64xf32, #tpu.memory_space<vmem>>, vector<2048x64xf32>
    %get3A_2 = arith.constant 0 : index
    %get3A_3 = arith.constant 0 : index
    %get3A_4 = arith.constant 0 : index
    %get3A_5 = vector.load %arg2[%get3A_2, %get3A_3, %get3A_4] : memref<2x2048x8xf32, #tpu.memory_space<vmem>>, vector<1x2048x1xf32>
    %get3A_6 = vector.shape_cast %get3A_5 : vector<1x2048x1xf32> to vector<2048xf32>
    %get3A_7 = arith.constant 1 : index
    %get3A_8 = arith.constant 0 : index
    %get3A_9 = arith.constant 0 : index
    %get3A_10 = vector.load %arg2[%get3A_7, %get3A_8, %get3A_9] : memref<2x2048x8xf32, #tpu.memory_space<vmem>>, vector<1x2048x1xf32>
    %get3A_11 = vector.shape_cast %get3A_10 : vector<1x2048x1xf32> to vector<2048xf32>
    %add3A = arith.addf %get3A_6, %get3A_11 : vector<2048xf32>
    %add3A_12 = arith.constant 1.000000e+00 : f32
    %add3A_13 = vector.broadcast %add3A_12 : f32 to vector<2048xf32>
    %add3A_14 = arith.addf %add3A, %add3A_13 : vector<2048xf32>
    %rsqrt3A = math.rsqrt %add3A_14 : vector<2048xf32>
    %broadcast_in_dim3A = vector.shape_cast %rsqrt3A : vector<2048xf32> to vector<2048x1xf32>
    %mul3A = vector.broadcast %broadcast_in_dim3A : vector<2048x1xf32> to vector<2048x64xf32>
    %mul3A_15 = arith.mulf %get3A_1, %mul3A : vector<2048x64xf32>
    %swap3A = arith.constant 0 : index
    %swap3A_16 = arith.constant 0 : index
    %swap3A_17 = vector.load %arg3[%swap3A, %swap3A_16] : memref<2048x64xf32, #tpu.memory_space<vmem>>, vector<2048x64xf32>
    tpu.vector_store %arg3[%swap3A, %swap3A_16], %mul3A_15 {strides = array<i32>} : memref<2048x64xf32, #tpu.memory_space<vmem>>, vector<2048x64xf32>,
    return
  }
  func.func @transform_0(%arg0: i32) -> (i32, i32) {
    %c0_i32 = arith.constant 0 : i32
    %c0_i32_0 = arith.constant 0 : i32
    return %arg0, %c0_i32 : i32, i32
  }
  func.func @transform_1(%arg0: i32) -> (i32, i32, i32) {
    %c0_i32 = arith.constant 0 : i32
    %c0_i32_0 = arith.constant 0 : i32
    %c0_i32_1 = arith.constant 0 : i32
    return %c0_i32, %arg0, %c0_i32_0 : i32, i32, i32
  }
  func.func @transform_2(%arg0: i32) -> (i32, i32) {
    %c0_i32 = arith.constant 0 : i32
    %c0_i32_0 = arith.constant 0 : i32
    return %arg0, %c0_i32 : i32, i32
  }
}

module attributes {stable_mosaic.version = 14 : i64} {
  func.func @_tc2_body(%arg0: i32, %arg1: memref<2x2048x64xf32, #tpu.memory_space<vmem>>, %arg2: memref<2048x64xf32, #tpu.memory_space<vmem>>, %arg3: memref<2x2048x8xf32, #tpu.memory_space<vmem>>, %arg4: memref<64x8xf32, #tpu.memory_space<vmem>>, %arg5: memref<1x64xf32, #tpu.memory_space<vmem>>, %arg6: memref<2048x8xf32, #tpu.memory_space<vmem>>) attributes {dimension_semantics = [#tpu.dimension_semantics<arbitrary>], iteration_bounds = array<i64: 5>, scalar_prefetch = 0 : i64, scratch_operands = 0 : i64, tpu.core_type = #tpu.core_type<tc>, window_params = [{transform_indices = @transform_0, window_bounds = array<i64: 2, 2048, 64>}, {transform_indices = @transform_1, window_bounds = array<i64: 2048, 64>}, {transform_indices = @transform_2, window_bounds = array<i64: 2, 2048, 8>}, {pipeline_mode = #tpu.pipeline_mode<synchronous>, transform_indices = @transform_3, window_bounds = array<i64: 64, 8>}, {pipeline_mode = #tpu.pipeline_mode<synchronous>, transform_indices = @transform_4, window_bounds = array<i64: 1, 64>}, {transform_indices = @transform_5, window_bounds = array<i64: 2048, 8>}]} {
    %get3A = arith.constant 0 : index
    %get3A_0 = arith.constant 0 : index
    %get3A_1 = arith.constant 0 : index
    %get3A_2 = vector.load %arg3[%get3A, %get3A_0, %get3A_1] : memref<2x2048x8xf32, #tpu.memory_space<vmem>>, vector<1x2048x1xf32>
    %get3A_3 = vector.shape_cast %get3A_2 : vector<1x2048x1xf32> to vector<2048xf32>
    %get3A_4 = arith.constant 1 : index
    %get3A_5 = arith.constant 0 : index
    %get3A_6 = arith.constant 0 : index
    %get3A_7 = vector.load %arg3[%get3A_4, %get3A_5, %get3A_6] : memref<2x2048x8xf32, #tpu.memory_space<vmem>>, vector<1x2048x1xf32>
    %get3A_8 = vector.shape_cast %get3A_7 : vector<1x2048x1xf32> to vector<2048xf32>
    %add3A = arith.addf %get3A_3, %get3A_8 : vector<2048xf32>
    %add3A_9 = arith.constant 1.000000e+00 : f32
    %add3A_10 = vector.broadcast %add3A_9 : f32 to vector<2048xf32>
    %add3A_11 = arith.addf %add3A, %add3A_10 : vector<2048xf32>
    %rsqrt3A = math.rsqrt %add3A_11 : vector<2048xf32>
    %broadcast_in_dim3A = vector.shape_cast %rsqrt3A : vector<2048xf32> to vector<2048x1xf32>
    %get3A_12 = arith.constant 0 : index
    %get3A_13 = arith.constant 0 : index
    %get3A_14 = arith.constant 0 : index
    %get3A_15 = vector.load %arg1[%get3A_12, %get3A_13, %get3A_14] : memref<2x2048x64xf32, #tpu.memory_space<vmem>>, vector<1x2048x64xf32>
    %get3A_16 = vector.shape_cast %get3A_15 : vector<1x2048x64xf32> to vector<2048x64xf32>
    %get3A_17 = arith.constant 1 : index
    %get3A_18 = arith.constant 0 : index
    %get3A_19 = arith.constant 0 : index
    %get3A_20 = vector.load %arg1[%get3A_17, %get3A_18, %get3A_19] : memref<2x2048x64xf32, #tpu.memory_space<vmem>>, vector<1x2048x64xf32>
    %get3A_21 = vector.shape_cast %get3A_20 : vector<1x2048x64xf32> to vector<2048x64xf32>
    %add3A_22 = arith.addf %get3A_16, %get3A_21 : vector<2048x64xf32>
    %get3A_23 = arith.constant 0 : index
    %get3A_24 = arith.constant 0 : index
    %get3A_25 = vector.load %arg2[%get3A_23, %get3A_24] : memref<2048x64xf32, #tpu.memory_space<vmem>>, vector<2048x64xf32>
    %add3A_26 = arith.addf %add3A_22, %get3A_25 : vector<2048x64xf32>
    %mul3A = vector.broadcast %broadcast_in_dim3A : vector<2048x1xf32> to vector<2048x64xf32>
    %mul3A_27 = arith.mulf %mul3A, %add3A_26 : vector<2048x64xf32>
    %get3A_28 = arith.constant 0 : index
    %get3A_29 = arith.constant 0 : index
    %get3A_30 = vector.load %arg5[%get3A_28, %get3A_29] : memref<1x64xf32, #tpu.memory_space<vmem>>, vector<1x64xf32>
    %add3A_31 = vector.broadcast %get3A_30 : vector<1x64xf32> to vector<2048x64xf32>
    %add3A_32 = arith.addf %mul3A_27, %add3A_31 : vector<2048x64xf32>
    %max3A = arith.constant 0.000000e+00 : f32
    %max3A_33 = vector.broadcast %max3A : f32 to vector<2048x64xf32>
    %max3A_34 = arith.maximumf %add3A_32, %max3A_33 : vector<2048x64xf32>
    %get3A_35 = arith.constant 0 : index
    %get3A_36 = arith.constant 0 : index
    %get3A_37 = vector.load %arg4[%get3A_35, %get3A_36] : memref<64x8xf32, #tpu.memory_space<vmem>>, vector<64x8xf32>
    %dot_general3A = arith.constant dense<0.000000e+00> : vector<2048x8xf32>
    %dot_general3A_38 = tpu.matmul %max3A_34, %get3A_37, %dot_general3A {dimension_numbers = #tpu.dot_dimension_numbers<[1], [0], [0], [1], [0, 0, 1, 1], [], []>, transpose_lhs_hint = false} : vector<2048x64xf32>, vector<64x8xf32>, vector<2048x8xf32> -> vector<2048x8xf32>
    %broadcast_in_dim3A_39 = vector.shape_cast %rsqrt3A : vector<2048xf32> to vector<2048x1xf32>
    %mul3A_40 = vector.broadcast %broadcast_in_dim3A_39 : vector<2048x1xf32> to vector<2048x8xf32>
    %mul3A_41 = arith.mulf %dot_general3A_38, %mul3A_40 : vector<2048x8xf32>
    %swap3A = arith.constant 0 : index
    %swap3A_42 = arith.constant 0 : index
    %swap3A_43 = vector.load %arg6[%swap3A, %swap3A_42] : memref<2048x8xf32, #tpu.memory_space<vmem>>, vector<2048x8xf32>
    tpu.vector_store %arg6[%swap3A, %swap3A_42], %mul3A_41 {strides = array<i32>} : memref<2048x8xf32, #tpu.memory_space<vmem>>, vector<2048x8xf32>,
    return
  }
  func.func @transform_0(%arg0: i32) -> (i32, i32, i32) {
    %c0_i32 = arith.constant 0 : i32
    %c0_i32_0 = arith.constant 0 : i32
    %c0_i32_1 = arith.constant 0 : i32
    return %c0_i32, %arg0, %c0_i32_0 : i32, i32, i32
  }
  func.func @transform_1(%arg0: i32) -> (i32, i32) {
    %c0_i32 = arith.constant 0 : i32
    %c0_i32_0 = arith.constant 0 : i32
    return %arg0, %c0_i32 : i32, i32
  }
  func.func @transform_2(%arg0: i32) -> (i32, i32, i32) {
    %c0_i32 = arith.constant 0 : i32
    %c0_i32_0 = arith.constant 0 : i32
    %c0_i32_1 = arith.constant 0 : i32
    return %c0_i32, %arg0, %c0_i32_0 : i32, i32, i32
  }
  func.func @transform_3(%arg0: i32) -> (i32, i32) {
    %c0_i32 = arith.constant 0 : i32
    %c0_i32_0 = arith.constant 0 : i32
    %c0_i32_1 = arith.constant 0 : i32
    return %c0_i32, %c0_i32_0 : i32, i32
  }
  func.func @transform_4(%arg0: i32) -> (i32, i32) {
    %c0_i32 = arith.constant 0 : i32
    %c0_i32_0 = arith.constant 0 : i32
    %c0_i32_1 = arith.constant 0 : i32
    return %c0_i32, %c0_i32_0 : i32, i32
  }
  func.func @transform_5(%arg0: i32) -> (i32, i32) {
    %c0_i32 = arith.constant 0 : i32
    %c0_i32_0 = arith.constant 0 : i32
    return %arg0, %c0_i32 : i32, i32
  }
}

module attributes {stable_mosaic.version = 14 : i64} {
  func.func @_tc3_body(%arg0: i32, %arg1: memref<2x2000x8xf32, #tpu.memory_space<vmem>>, %arg2: memref<2000x8xf32, #tpu.memory_space<vmem>>, %arg3: memref<2x2000x8xf32, #tpu.memory_space<vmem>>, %arg4: memref<1x8xf32, #tpu.memory_space<vmem>>, %arg5: memref<2000x2xf32, #tpu.memory_space<vmem>>) attributes {dimension_semantics = [#tpu.dimension_semantics<arbitrary>], iteration_bounds = array<i64: 5>, scalar_prefetch = 0 : i64, scratch_operands = 0 : i64, tpu.core_type = #tpu.core_type<tc>, window_params = [{transform_indices = @transform_0, window_bounds = array<i64: 2, 2000, 8>}, {transform_indices = @transform_1, window_bounds = array<i64: 2000, 8>}, {transform_indices = @transform_2, window_bounds = array<i64: 2, 2000, 8>}, {pipeline_mode = #tpu.pipeline_mode<synchronous>, transform_indices = @transform_3, window_bounds = array<i64: 1, 8>}, {transform_indices = @transform_4, window_bounds = array<i64: 2000, 2>}]} {
    %get3A = arith.constant 0 : index
    %get3A_0 = arith.constant 0 : index
    %get3A_1 = arith.constant 0 : index
    %get3A_2 = vector.load %arg3[%get3A, %get3A_0, %get3A_1] : memref<2x2000x8xf32, #tpu.memory_space<vmem>>, vector<1x2000x1xf32>
    %get3A_3 = vector.shape_cast %get3A_2 : vector<1x2000x1xf32> to vector<2000xf32>
    %get3A_4 = arith.constant 1 : index
    %get3A_5 = arith.constant 0 : index
    %get3A_6 = arith.constant 0 : index
    %get3A_7 = vector.load %arg3[%get3A_4, %get3A_5, %get3A_6] : memref<2x2000x8xf32, #tpu.memory_space<vmem>>, vector<1x2000x1xf32>
    %get3A_8 = vector.shape_cast %get3A_7 : vector<1x2000x1xf32> to vector<2000xf32>
    %add3A = arith.addf %get3A_3, %get3A_8 : vector<2000xf32>
    %add3A_9 = arith.constant 1.000000e+00 : f32
    %add3A_10 = vector.broadcast %add3A_9 : f32 to vector<2000xf32>
    %add3A_11 = arith.addf %add3A, %add3A_10 : vector<2000xf32>
    %rsqrt3A = math.rsqrt %add3A_11 : vector<2000xf32>
    %broadcast_in_dim3A = vector.shape_cast %rsqrt3A : vector<2000xf32> to vector<2000x1xf32>
    %get3A_12 = arith.constant 0 : index
    %get3A_13 = arith.constant 0 : index
    %get3A_14 = arith.constant 0 : index
    %get3A_15 = vector.load %arg1[%get3A_12, %get3A_13, %get3A_14] : memref<2x2000x8xf32, #tpu.memory_space<vmem>>, vector<1x2000x8xf32>
    %get3A_16 = vector.shape_cast %get3A_15 : vector<1x2000x8xf32> to vector<2000x8xf32>
    %get3A_17 = arith.constant 1 : index
    %get3A_18 = arith.constant 0 : index
    %get3A_19 = arith.constant 0 : index
    %get3A_20 = vector.load %arg1[%get3A_17, %get3A_18, %get3A_19] : memref<2x2000x8xf32, #tpu.memory_space<vmem>>, vector<1x2000x8xf32>
    %get3A_21 = vector.shape_cast %get3A_20 : vector<1x2000x8xf32> to vector<2000x8xf32>
    %add3A_22 = arith.addf %get3A_16, %get3A_21 : vector<2000x8xf32>
    %get3A_23 = arith.constant 0 : index
    %get3A_24 = arith.constant 0 : index
    %get3A_25 = vector.load %arg2[%get3A_23, %get3A_24] : memref<2000x8xf32, #tpu.memory_space<vmem>>, vector<2000x8xf32>
    %add3A_26 = arith.addf %add3A_22, %get3A_25 : vector<2000x8xf32>
    %mul3A = vector.broadcast %broadcast_in_dim3A : vector<2000x1xf32> to vector<2000x8xf32>
    %mul3A_27 = arith.mulf %mul3A, %add3A_26 : vector<2000x8xf32>
    %get3A_28 = arith.constant 0 : index
    %get3A_29 = arith.constant 0 : index
    %get3A_30 = vector.load %arg4[%get3A_28, %get3A_29] : memref<1x8xf32, #tpu.memory_space<vmem>>, vector<1x8xf32>
    %add3A_31 = vector.broadcast %get3A_30 : vector<1x8xf32> to vector<2000x8xf32>
    %add3A_32 = arith.addf %mul3A_27, %add3A_31 : vector<2000x8xf32>
    %slice3A = vector.extract_strided_slice %add3A_32 {offsets = [0, 0], sizes = [2000, 2], strides = [1, 1]} : vector<2000x8xf32> to vector<2000x2xf32>
    %swap3A = arith.constant 0 : index
    %swap3A_33 = arith.constant 0 : index
    %swap3A_34 = vector.load %arg5[%swap3A, %swap3A_33] : memref<2000x2xf32, #tpu.memory_space<vmem>>, vector<2000x2xf32>
    tpu.vector_store %arg5[%swap3A, %swap3A_33], %slice3A {strides = array<i32>} : memref<2000x2xf32, #tpu.memory_space<vmem>>, vector<2000x2xf32>,
    return
  }
  func.func @transform_0(%arg0: i32) -> (i32, i32, i32) {
    %c0_i32 = arith.constant 0 : i32
    %c0_i32_0 = arith.constant 0 : i32
    %c0_i32_1 = arith.constant 0 : i32
    return %c0_i32, %arg0, %c0_i32_0 : i32, i32, i32
  }
  func.func @transform_1(%arg0: i32) -> (i32, i32) {
    %c0_i32 = arith.constant 0 : i32
    %c0_i32_0 = arith.constant 0 : i32
    return %arg0, %c0_i32 : i32, i32
  }
  func.func @transform_2(%arg0: i32) -> (i32, i32, i32) {
    %c0_i32 = arith.constant 0 : i32
    %c0_i32_0 = arith.constant 0 : i32
    %c0_i32_1 = arith.constant 0 : i32
    return %c0_i32, %arg0, %c0_i32_0 : i32, i32, i32
  }
  func.func @transform_3(%arg0: i32) -> (i32, i32) {
    %c0_i32 = arith.constant 0 : i32
    %c0_i32_0 = arith.constant 0 : i32
    %c0_i32_1 = arith.constant 0 : i32
    return %c0_i32, %c0_i32_0 : i32, i32
  }
  func.func @transform_4(%arg0: i32) -> (i32, i32) {
    %c0_i32 = arith.constant 0 : i32
    %c0_i32_0 = arith.constant 0 : i32
    return %arg0, %c0_i32 : i32, i32
  }
}

</mosaic_0001>

<sc_bundles>
// kernel: deg_hist.3.cloned.1.call-start
scs
__scs_entry_jumppad:
0x0: {  	(pc) =	sbr.rel $0x88, $3  }
0x1: {  	(tag) =	ssettag $0x0;
	lr =	simm.s32 $0x1  }
0x2: {  	[smem:$0x3F9B] =	sst lr;
	_ =	strace $0xD0000000  }
0x3: {  	_ = 	snop  }
0x4: {  	_ = 	snop  }
0x5: {  	_ = 	snop  }
0x6: {  	_ = 	snop  }
0x7: {  	_ = 	snop  }
__scs_overlays_trampoline_lowered:
0x8: {  	[smem:$0x3FAA] =	sst s0  }
0x9: {  	[smem:$0x3FAB] =	sst s1  }
0xa: {  	[smem:$0x3FAC] =	sst s2  }
0xb: {  	[smem:$0x3FAD] =	sst s3  }
0xc: {  	[smem:$0x3FAE] =	sst s4  }
0xd: {  	[smem:$0x3FAF] =	sst s5  }
0xe: {  	[smem:$0x3FB0] =	sst s6  }
0xf: {  	[smem:$0x3FB1] =	sst s7  }
0x10: {  	[smem:$0x3FB2] =	sst s8  }
0x11: {  	[smem:$0x3FB3] =	sst s9;
	s0 =	simm.s32 @!p0 $0x0  }
0x12: {  	s1 =	sld [smem:$0x3F99];
	s0 =	simm.s32 @p0 $0x1  }
0x13: {  	[smem:$0x3FB4] =	sst s0;
	s0 =	simm.s32 @!p1 $0x0  }
0x14: {  	s2 =	sld [smem:$0x3F98];
	s0 =	simm.s32 @p1 $0x1  }
0x15: {  	[smem:$0x3FB5] =	sst s0;
	s0 =	simm.s32 @!p2 $0x0  }
0x16: {  	s3 =	sld [smem:$0x3FDB];
	s0 =	simm.s32 @p2 $0x1  }
0x17: {  	s4 =	simm.s32 $0x1BF5;
	[smem:$0x3FB7] =	sst s0  }
0x18: {  	s0 =	sld [smem:$0x3F9A];
	_ =	swait.ge [sflag:s4], $0x0  }
0x19: {  	s7 =	sld [smem:$0x3F9B]  }
0x1a: {  	s8 =	sadd.s32 $0xFFFFE003, lr  }
0x1b: {  	s9 =	sadd.s32 $0xFFFFFEF7, lr;
	s5 =	simm.s32 $0xFFFFFFFF;
	p2 =	slt.u32 s8, $0xFFFFF086  }
0x1c: {  	p1 =	slt.u32 s9, $0xF7A;
	s5 =	simm.s32 @!p2 $0x0  }
0x1d: {  	s5 =	simm.s32 @p1 $0x1;
	p0 =	seq.s32 s7, s2  }
0x1e: {  	s7 =	smul.u32 @!p0 $0xF7A, s2;
	p2 =	seq.s32 @!p0 s5, $0x0  }
0x1f: {  	s9 =	smul.u32 $0xF7A, s1;
	s8 =	simm.s32 @!p0 $0x1BF5;
	p2 =	por !p2, p0  }
0x20: {  	[sflag:s8] =	ssyncset.s32 @!p0 $0xFFFFF086;
	s6 =	sadd.s32 @!p0 s3, s7;
	s7 =	simm.s32 @!p0 $0x108  }
0x21: {  	s3 =	sadd.s32 s3, s9;
	s6 =	sadd.s32 @!p0 $0x88, s6;
	s7 =	simm.s32 @p2 $0x1082  }
0x22: {  	[simem:s7], [sflag:s8] =	dma.local @!p0 [hbm:s6], $0xF7A  }
0x23: {  	s9 =	sor.u32 $0xD0000000, s2;
	s6 =	simm.s32 $0x108;
	_ =	swait.ge @!p0 [sflag:s8], $0x0  }
0x24: {  	s3 =	sadd.s32 $0x88, s3;
	s6 =	simm.s32 @!p1 $0x1082;
	[sflag:s4] =	ssyncset.s32 $0xFFFFF086  }
0x25: {  	[simem:s6], [sflag:s4] =	dma.local [hbm:s3], $0xF7A  }
0x26: {  	[smem:$0x3F9B] =	sst s1;
	(tag) =	ssettag s2;
	_ =	strace s9  }
0x27: {  	s1 =	sld [smem:$0x3FAB]  }
0x28: {  	s2 =	sld [smem:$0x3FAC]  }
0x29: {  	s4 =	sld [smem:$0x3FAE]  }
0x2a: {  	p0 =	seq.s32 s5, $0x0;
	s5 =	sld [smem:$0x3FAF]  }
0x2b: {  	s6 =	sld [smem:$0x3FB0]  }
0x2c: {  	s7 =	sld [smem:$0x3FB1]  }
0x2d: {  	s3 =	simm.s32 $0x108;
	s8 =	sld [smem:$0x3FB2]  }
0x2e: {  	s3 =	simm.s32 @!p0 $0x1082;
	s9 =	sld [smem:$0x3FB3]  }
0x2f: {  	lr =	sadd.s32 s0, s3;
	s0 =	sld [smem:$0x3FAA]  }
0x30: {  	s3 =	sld [smem:$0x3FAD]  }
0x31: {  	[smem:$0x3FB6] =	sst s10  }
0x32: {  	s10 =	sld [smem:$0x3FB4];
	_ =	sdelay $0x3  }
0x33: {  	p0 =	seq.s32 s10, $0x1;
	s10 =	sld [smem:$0x3FB6];
	_ =	sdelay $0x3  }
0x34: {  	[smem:$0x3FB6] =	sst s10  }
0x35: {  	s10 =	sld [smem:$0x3FB5];
	_ =	sdelay $0x3  }
0x36: {  	p1 =	seq.s32 s10, $0x1;
	s10 =	sld [smem:$0x3FB6];
	_ =	sdelay $0x3  }
0x37: {  	[smem:$0x3FB6] =	sst s10  }
0x38: {  	s10 =	sld [smem:$0x3FB7]  }
0x39: {  	_ = 	snop;
	(pc) =	sbr.ind lr, $3  }
0x3a: {  	_ = 	snop  }
0x3b: {  	_ = 	snop  }
0x3c: {  	p2 =	seq.s32 s10, $0x1;
	s10 =	sld [smem:$0x3FB6]  }
0x3d: {  	_ =	shalt  }
0x3e: {  	_ =	shalt  }
0x3f: {  	_ =	shalt  }
0x40: {  	_ =	shalt  }
0x41: {  	_ =	shalt  }
0x42: {  	_ =	shalt  }
0x43: {  	_ =	shalt  }
0x44: {  	_ =	shalt  }
0x45: {  	_ =	shalt  }
0x46: {  	_ =	shalt  }
0x47: {  	_ =	shalt  }
0x48: {  	_ =	shalt  }
0x49: {  	_ =	shalt  }
0x4a: {  	_ =	shalt  }
0x4b: {  	_ =	shalt  }
0x4c: {  	_ =	shalt  }
0x4d: {  	_ =	shalt  }
0x4e: {  	_ =	shalt  }
0x4f: {  	_ =	shalt  }
0x50: {  	_ =	shalt  }
0x51: {  	_ =	shalt  }
0x52: {  	_ =	shalt  }
0x53: {  	_ =	shalt  }
0x54: {  	_ =	shalt  }
0x55: {  	_ =	shalt  }
0x56: {  	_ =	shalt  }
0x57: {  	_ =	shalt  }
0x58: {  	_ =	shalt  }
0x59: {  	_ =	shalt  }
0x5a: {  	_ =	shalt  }
0x5b: {  	_ =	shalt  }
0x5c: {  	_ =	shalt  }
0x5d: {  	_ =	shalt  }
0x5e: {  	_ =	shalt  }
0x5f: {  	_ =	shalt  }
0x60: {  	_ =	shalt  }
0x61: {  	_ =	shalt  }
0x62: {  	_ =	shalt  }
0x63: {  	_ =	shalt  }
0x64: {  	_ =	shalt  }
0x65: {  	_ =	shalt  }
0x66: {  	_ =	shalt  }
0x67: {  	_ =	shalt  }
0x68: {  	_ =	shalt  }
0x69: {  	_ =	shalt  }
0x6a: {  	_ =	shalt  }
0x6b: {  	_ =	shalt  }
0x6c: {  	_ =	shalt  }
0x6d: {  	_ =	shalt  }
0x6e: {  	_ =	shalt  }
0x6f: {  	_ =	shalt  }
0x70: {  	_ =	shalt  }
0x71: {  	_ =	shalt  }
0x72: {  	_ =	shalt  }
0x73: {  	_ =	shalt  }
0x74: {  	_ =	shalt  }
0x75: {  	_ =	shalt  }
0x76: {  	_ =	shalt  }
0x77: {  	_ =	shalt  }
0x78: {  	_ =	shalt  }
0x79: {  	_ =	shalt  }
0x7a: {  	_ =	shalt  }
0x7b: {  	_ =	shalt  }
0x7c: {  	_ =	shalt  }
0x7d: {  	_ =	shalt  }
0x7e: {  	_ =	shalt  }
0x7f: {  	_ =	shalt  }
0x80: {  	_ =	shalt  }
0x81: {  	_ =	shalt  }
0x82: {  	_ =	shalt  }
0x83: {  	_ =	shalt  }
0x84: {  	_ =	shalt  }
0x85: {  	_ =	shalt  }
0x86: {  	_ =	shalt  }
0x87: {  	_ =	shalt  }
.Lfunc_end0:
.L_simem_size_0:
called_computation_lowered:
.L_overlay_start_0:
0x88: {  	s2 =	sld [smem:$0x3FD9]  }
0x89: {  	s3 =	sld [smem:$0x3FFE];
	_ =	sdelay $0x1  }
0x8a: {  	s1 =	srdreg.scid  }
0x8b: {  	s0 =	sand.u32 $0x1, s1  }
0x8c: {  	s17 =	sshll.u32 s0, $0xA;
	s2 =	sadd.s32 s3, s2  }
0x8d: {  	s2 =	sadd.s32 s2, s17  }
0x8e: {  	[smem:$0x3FC2] =	sst s2  }
0x8f: {  	_ = 	snop  }
0x90: {  	s2 =	sld [smem:$0x3FD0];
	(tm) =	ssettm $0x1  }
0x91: {  	s18 =	sld [smem:$0x3FFB];
	_ =	sdelay $0x3  }
0x92: {  	_ =	strace s18  }
0x93: {  	s3 =	sld [smem:$0x3FFC];
	_ =	sdelay $0x3  }
0x94: {  	_ =	strace s3  }
0x95: {  	s3 =	sld [smem:$0x3FFD];
	_ =	sdelay $0x3  }
0x96: {  	_ =	strace s3  }
0x97: {  	_ =	strace $0x8FFFFFFF  }
0x98: {  	s19 =	sld [smem:$0x3FDB];
	_ =	sdelay $0x1  }
0x99: {  	s4 =	simm.s32 $_scs_section_size  }
0x9a: {  	s5 =	simm.s32 $_size__tile_overlayer_lowered;
	s6 =	simm.s32 $_tile_overlayer_lowered  }
0x9b: {  	s22 =	simm.s32 $0x1BFF;
	s21 =	sshll.u32 s6, $0x1;
	s3 =	sadd.s32 s4, s19  }
0x9c: {  	s7 =	simm.s32 $0x0;
	s20 =	sshll.u32 s5, $0x1;
	s5 =	sadd.s32 s21, s3  }
0x9d: {  	[timem:s7], [sflag:s22] =	dma.local [hbm:s5], s20  }
0x9e: {  	_ =	swait.ge [sflag:s22], s20  }
0x9f: {  	s4 =	ssub.s32 $0x0, s20;
	[sflag:s22] =	ssyncset.done $0x0  }
0xa0: {  	[sflag:s22] =	ssyncadd.s32 s4;
	_ =	sdelay $0x1  }
0xa1: {  	s23 =	simm.s32 $0x1B8B  }
0xa2: {  	_ =	swait.ge [sflag:s23], $0x1  }
0xa3: {  	[sflag:s23] =	ssyncset.done $0x0  }
0xa4: {  	s25 =	simm.s32 $0x1B8E;
	s24 =	sld [smem:$0x3FFE];
	[sflag:s23] =	ssyncadd.s32 $0xFFFFFFFF  }
0xa5: {  	s26 =	simm.s32 $execute0_lowered;
	[smem:$0x3FD2] =	sst s25  }
0xa6: {  	s5 =	sshll.u32 s26, $0x1;
	_ =	strace $0x80000046;
	[dreg:$0x1] =	wrdreg $0xFFFFFFFF  }
0xa7: {  	s28 =	simm.s32 $_size_execute0_lowered;
	s3 =	sadd.s32 s3, s5;
	[dreg:$0x0] =	wrdreg $0x0  }
0xa8: {  	s5 =	sshll.u32 s28, $0x1;
	[dreg:$0x2] =	wrdreg s3  }
0xa9: {  	[dreg:$0x3] =	wrdreg s5  }
0xaa: {  	[dreg:$0x4] =	wrdreg $0xC0  }
0xab: {  	_ =	task [dreg:s7], $0x5FFFF  }
0xac: {  	[dreg:$0x1] =	wrdreg $0xFFFFFFFF  }
0xad: {  	[dreg:$0x0] =	wrdreg $0x60  }
0xae: {  	[dreg:$0x2] =	wrdreg s24  }
0xaf: {  	[dreg:$0x3] =	wrdreg s2  }
0xb0: {  	[dreg:$0x4] =	wrdreg $0x0  }
0xb1: {  	[dreg:$0x5] =	wrdreg $0x9  }
0xb2: {  	_ =	task.clear_ibuf [dreg:s7], $0x6FFFF;
	_ =	strace $0x90000046  }
0xb3: {  	s29 =	simm.s32 $0x9;
	_ =	strace $0x80000048  }
0xb4: {  	_ =	swait.ge [sflag:s29], $0x1  }
0xb5: {  	[sflag:s29] =	ssyncadd.s32 $0xFFFFFFFF  }
0xb6: {  	_ =	strace $0x90000048  }
0xb7: {  	_ =	sfence  }
0xb8: {  	s30 =	sld [smem:$0x0];
	_ =	sdelay $0x2  }
0xb9: {  	s31 =	sshll.u32 s1, $0xD;
	s1 =	sshrl.u32 s1, $0x2  }
0xba: {  	s3 =	sand.u32 $0x4000, s31;
	s1 =	sadd.s32 s1, s30  }
0xbb: {  	s0 =	sor.u32 s3, s0;
	s1 =	sshll.u32 s1, $0x11  }
0xbc: {  	s0 =	sor.u32 s1, s0  }
0xbd: {  	s0 =	sadd.s32 $0x8F2B, s0  }
0xbe: {  	[sflag:s0] =	ssyncadd.remote.s32 $0x1  }
0xbf: {  	_ =	sfence.sel $0xFFFF  }
0xc0: {  	[dreg:$0x0] =	wrdreg $0xFFFFFFFF;
	(pc) =	sbr.abs _section_cstart, $3  }
0xc1: {  	[dreg:$0x1] =	wrdreg $0xFFFFFFFF  }
0xc2: {  	_ =	task.clear_ibuf [dreg:s7], $0x2FFFF;
	_ =	strace $0x9FFFFFFF  }
0xc3: {  	(tm) =	ssettm $0x7FFFFFFF  }
tec
execute0_lowered:
.L_overlay_start_1:
0x0: {  	(tag) =	ssettag $0x1  }
0x1: {  	s6 =	rddreg [dreg:$0x0]  }
0x2: {  	s2 =	rddreg [dreg:$0x1]  }
0x3: {  	s3 =	rddreg [dreg:$0x2]  }
0x4: {  	s0 =	rddreg [dreg:$0x3]  }
0x5: {  	s4 =	srdreg.scid;
	s1 =	stileid.u32;
	s11 =	simm.s32 $0x1400  }
0x6: {  	s13 =	simm.s32 $0x1;
	s14 =	simm.s32 $0x2;
	s15 =	simm.s32 $0x3  }
0x7: {  	s16 =	simm.s32 $0x80;
	s17 =	simm.s32 $0x1480;
	s19 =	simm.s32 $0x4  }
0x8: {  	s20 =	simm.s32 $0x0;
	s5 =	sand.u32 $0x1, s4;
	s7 =	sshll.u32 s1, $0x1  }
0x9: {  	s8 =	smul.u32 $0x1400, s1;
	s4 =	simm.s32 $0x0;
	s18 =	sshll.u32 s1, $0x6  }
0xa: {  	s7 =	sor.u32 s5, s7;
	s9 =	smul.u32 $0x14000, s5;
	[smem:$0x7FF] =	sst s4  }
0xb: {  	s10 =	ssub.s32 $0x2, s5;
	s5 =	sadd.s32 $0xBA00, s6;
	s7 =	smul.u32 $0x500, s7  }
0xc: {  	_ =	strace $0x80000047;
	s31 =	sshrl.u32 s10, $0x1;
	s9 =	sadd.s32 s8, s9  }
0xd: {  	s12 =	sadd.s32 s8, s3;
	s10 =	ssub.s32 s10, s31;
	s9 =	sshrl.u32 s9, $0x3  }
0xe: {  	s12 =	sshrl.u32 s12, $0x3;
	s7 =	sadd.s32 s7, s6;
	s9 =	sadd.s32 s9, s6  }
0xf: {  	s6 =	sadd.s32 $0x1A00, s7;
	s7 =	sor.u32 $0x1C03, s18;
	s18 =	sor.u32 $0x1C04, s18  }
0x10: {  	s8 =	sadd.s32 $0xBC00, s9;
	s9 =	smax.u32 s10, $0x1;
	s10 =	simm.s32 $0x3C00  }
.LBB2_1:
0x11: {  	[tilespmem:s10], [sflag:$0x1] =	stream.linear.gather [hbm4b:s5+s4], $0x400, $0x38;
	[tilespmem:$0x4000] =	vst v63  }
0x12: {  	_ = 	snop  }
0x13: {  	[tilespmem:s11], [sflag:$0x2] =	stream.linear.gather [hbm4b:s6+s4], $0x2800, $0x38;
	[tilespmem:$0x4000] =	vst v63  }
0x14: {  	[spmem:s12], [sflag:s7] =	dma.local [hbm:s2], $0x280  }
0x15: {  	_ =	swait.ge [sflag:s13], $0x400  }
0x16: {  	[sflag:s13] =	ssyncset.done $0x0  }
0x17: {  	[sflag:s13] =	ssyncadd.s32 $0xFFFFFC00  }
0x18: {  	_ =	swait.ge [sflag:s14], $0x2800  }
0x19: {  	[sflag:s14] =	ssyncset.done $0x0  }
0x1a: {  	[sflag:s14] =	ssyncadd.s32 $0xFFFFD800  }
0x1b: {  	_ =	swait.ge [sflag:s15], $0x280  }
0x1c: {  	[sflag:s15] =	ssyncset.done $0x0  }
0x1d: {  	[sflag:s15] =	ssyncadd.s32 $0xFFFFFD80  }
0x1e: {  	[bflag:$0x0] =	sbarrier.arrive $0xFFFF  }
0x1f: {  	[spmem:s3] =	stream.indirect.scatter.add.f32 [tilespmem:s10], [sflag:$0x1], $0x8, s11, s16, $0xb8;
	[tilespmem:$0x4000] =	vst v63  }
0x20: {  	_ = 	snop  }
0x21: {  	[spmem:s3] =	stream.indirect.scatter.add.f32 [tilespmem:s10], [sflag:$0x2], $0x8, s17, s16, $0xb8;
	[tilespmem:$0x4000] =	vst v63  }
0x22: {  	_ =	swait.ge [sflag:s13], $0x400  }
0x23: {  	[sflag:s13] =	ssyncset.done $0x0  }
0x24: {  	s21 =	simm.s32 $0x1500;
	[sflag:s13] =	ssyncadd.s32 $0xFFFFFC00  }
0x25: {  	[spmem:s3] =	stream.indirect.scatter.add.f32 [tilespmem:s10], [sflag:$0x1], $0x8, s21, s16, $0xb8;
	[tilespmem:$0x4000] =	vst v63  }
0x26: {  	_ =	swait.ge [sflag:s14], $0x400  }
0x27: {  	[sflag:s14] =	ssyncset.done $0x0  }
0x28: {  	s22 =	simm.s32 $0x1580;
	s21 =	simm.s32 $0xFFFF6800;
	[sflag:s14] =	ssyncadd.s32 $0xFFFFFC00  }
.LBB2_2:
0x29: {  	[spmem:s3] =	stream.indirect.scatter.add.f32 [tilespmem:s10], [sflag:$0x2], $0x8, s22, s16, $0xb8;
	[tilespmem:$0x4000] =	vst v63  }
0x2a: {  	s22 =	smov.u32 s21  }
0x2b: {  	p0 =	sne.s32 s21, $0xFFFFFC00;
	s21 =	sadd.s32 $0x400, s21;
	_ =	swait.ge [sflag:s13], $0x400  }
0x2c: {  	s22 =	sshra.s32 s22, $0x2;
	[sflag:s13] =	ssyncset.done $0x0  }
.Ltmp0:
0x2d: {  	s23 =	sadd.s32 $0x3C00, s22;
	[sflag:s13] =	ssyncadd.s32 $0xFFFFFC00;
	(pc) =	sbr.rel @p0 .LBB2_2-.Ltmp0, $4  }
0x2e: {  	[spmem:s3] =	stream.indirect.scatter.add.f32 [tilespmem:s10], [sflag:$0x1], $0x8, s23, s16, $0xb8;
	[tilespmem:$0x4000] =	vst v63  }
0x2f: {  	_ =	swait.ge [sflag:s14], $0x400  }
0x30: {  	[sflag:s14] =	ssyncset.done $0x0  }
0x31: {  	s22 =	sadd.s32 $0x3C80, s22;
	[sflag:s14] =	ssyncadd.s32 $0xFFFFFC00  }
0x32: {  	[spmem:s3] =	stream.indirect.scatter.add.f32 [tilespmem:s10], [sflag:$0x2], $0x8, s22, s16, $0xb8;
	[tilespmem:$0x4000] =	vst v63  }
0x33: {  	_ =	swait.ge [sflag:s13], $0x400  }
0x34: {  	[sflag:s13] =	ssyncset.done $0x0  }
0x35: {  	[sflag:s13] =	ssyncadd.s32 $0xFFFFFC00  }
0x36: {  	_ =	swait.ge [sflag:s14], $0x400  }
0x37: {  	s20 =	sadd.s32 $0x1, s20;
	[sflag:s14] =	ssyncset.done $0x0  }
0x38: {  	p0 =	sne.s32 s20, s9;
	[sflag:s14] =	ssyncadd.s32 $0xFFFFFC00  }
.Ltmp1:
0x39: {  	[bflag:$0x0] =	sbarrier.arrive $0xFFFF;
	(pc) =	sbr.rel @p0 .LBB2_1-.Ltmp1, $4  }
0x3a: {  	[hbm:s8], [sflag:s18] =	dma.local [spmem:s12], $0x280  }
0x3b: {  	_ =	swait.ge [sflag:s19], $0x280  }
0x3c: {  	[sflag:s19] =	ssyncset.done $0x0  }
0x3d: {  	[sflag:s19] =	ssyncadd.s32 $0xFFFFFD80  }
0x3e: {  	_ =	sfence.sel $0x180000  }
0x3f: {  	[bflag:$0x0] =	sbarrier.arrive $0xFFFF  }
0x40: {  	p0 =	sne.s32 s1, $0x0;
	_ =	strace $0x90000047  }
0x41: {  	s0 =	sadd.s32 @!p0 $0x100000, s0;
	[bflag:$0x2] =	sbarrier.arrive $0xFFFF  }
0x42: {  	[sflag:s0] =	ssyncadd.tile.s32 @!p0 $0x1;
	_ =	shalt  }
.Lfunc_end2:
_tile_overlayer_lowered:
.L_overlay_start_2:
0x43: {  	(tag) =	ssettag $0x2  }
0x44: {  	s0 =	rddreg [dreg:$0x0];
	s2 =	stileid.u32  }
0x45: {  	s1 =	rddreg [dreg:$0x1];
	p0 =	sne.s32 s2, $0x0  }
0x46: {  	s3 =	rddreg [dreg:$0x2];
	[bflag:$0x3] =	sbarrier.arrive $0xFFFF;
	s2 =	simm.s32 @!p0 $0x1C04  }
0x47: {  	[timem:s3], [sflag:s2] =	dma.local @!p0 [hbm:s0], s1  }
0x48: {  	s0 =	simm.s32 @!p0 $0x4  }
0x49: {  	_ =	swait.ge @!p0 [sflag:s0], s1  }
0x4a: {  	s1 =	ssub.s32 @!p0 $0x0, s1;
	[sflag:s0] =	ssyncset.done @!p0 $0x0  }
0x4b: {  	[sflag:s0] =	ssyncadd.s32 @!p0 s1  }
0x4c: {  	[bflag:$0x3] =	sbarrier.arrive $0xFFFF  }
0x4d: {  	_ =	shalt  }

// kernel: spmm64.3.cloned.1.call-start
scs
__scs_entry_jumppad:
0x0: {  	(pc) =	sbr.rel $0x88, $3  }
0x1: {  	(tag) =	ssettag $0x0;
	lr =	simm.s32 $0x1  }
0x2: {  	[smem:$0x3F9B] =	sst lr;
	_ =	strace $0xD0000000  }
0x3: {  	_ = 	snop  }
0x4: {  	_ = 	snop  }
0x5: {  	_ = 	snop  }
0x6: {  	_ = 	snop  }
0x7: {  	_ = 	snop  }
__scs_overlays_trampoline_lowered:
0x8: {  	[smem:$0x3FAA] =	sst s0  }
0x9: {  	[smem:$0x3FAB] =	sst s1  }
0xa: {  	[smem:$0x3FAC] =	sst s2  }
0xb: {  	[smem:$0x3FAD] =	sst s3  }
0xc: {  	[smem:$0x3FAE] =	sst s4  }
0xd: {  	[smem:$0x3FAF] =	sst s5  }
0xe: {  	[smem:$0x3FB0] =	sst s6  }
0xf: {  	[smem:$0x3FB1] =	sst s7  }
0x10: {  	[smem:$0x3FB2] =	sst s8  }
0x11: {  	[smem:$0x3FB3] =	sst s9;
	s0 =	simm.s32 @!p0 $0x0  }
0x12: {  	s1 =	sld [smem:$0x3F99];
	s0 =	simm.s32 @p0 $0x1  }
0x13: {  	[smem:$0x3FB4] =	sst s0;
	s0 =	simm.s32 @!p1 $0x0  }
0x14: {  	s2 =	sld [smem:$0x3F98];
	s0 =	simm.s32 @p1 $0x1  }
0x15: {  	[smem:$0x3FB5] =	sst s0;
	s0 =	simm.s32 @!p2 $0x0  }
0x16: {  	s3 =	sld [smem:$0x3FDB];
	s0 =	simm.s32 @p2 $0x1  }
0x17: {  	s4 =	simm.s32 $0x1BF5;
	[smem:$0x3FB7] =	sst s0  }
0x18: {  	s0 =	sld [smem:$0x3F9A];
	_ =	swait.ge [sflag:s4], $0x0  }
0x19: {  	s7 =	sld [smem:$0x3F9B]  }
0x1a: {  	s8 =	sadd.s32 $0xFFFFE003, lr  }
0x1b: {  	s9 =	sadd.s32 $0xFFFFFEF7, lr;
	s5 =	simm.s32 $0xFFFFFFFF;
	p2 =	slt.u32 s8, $0xFFFFF086  }
0x1c: {  	p1 =	slt.u32 s9, $0xF7A;
	s5 =	simm.s32 @!p2 $0x0  }
0x1d: {  	s5 =	simm.s32 @p1 $0x1;
	p0 =	seq.s32 s7, s2  }
0x1e: {  	s7 =	smul.u32 @!p0 $0xF7A, s2;
	p2 =	seq.s32 @!p0 s5, $0x0  }
0x1f: {  	s9 =	smul.u32 $0xF7A, s1;
	s8 =	simm.s32 @!p0 $0x1BF5;
	p2 =	por !p2, p0  }
0x20: {  	[sflag:s8] =	ssyncset.s32 @!p0 $0xFFFFF086;
	s6 =	sadd.s32 @!p0 s3, s7;
	s7 =	simm.s32 @!p0 $0x108  }
0x21: {  	s3 =	sadd.s32 s3, s9;
	s6 =	sadd.s32 @!p0 $0x88, s6;
	s7 =	simm.s32 @p2 $0x1082  }
0x22: {  	[simem:s7], [sflag:s8] =	dma.local @!p0 [hbm:s6], $0xF7A  }
0x23: {  	s9 =	sor.u32 $0xD0000000, s2;
	s6 =	simm.s32 $0x108;
	_ =	swait.ge @!p0 [sflag:s8], $0x0  }
0x24: {  	s3 =	sadd.s32 $0x88, s3;
	s6 =	simm.s32 @!p1 $0x1082;
	[sflag:s4] =	ssyncset.s32 $0xFFFFF086  }
0x25: {  	[simem:s6], [sflag:s4] =	dma.local [hbm:s3], $0xF7A  }
0x26: {  	[smem:$0x3F9B] =	sst s1;
	(tag) =	ssettag s2;
	_ =	strace s9  }
0x27: {  	s1 =	sld [smem:$0x3FAB]  }
0x28: {  	s2 =	sld [smem:$0x3FAC]  }
0x29: {  	s4 =	sld [smem:$0x3FAE]  }
0x2a: {  	p0 =	seq.s32 s5, $0x0;
	s5 =	sld [smem:$0x3FAF]  }
0x2b: {  	s6 =	sld [smem:$0x3FB0]  }
0x2c: {  	s7 =	sld [smem:$0x3FB1]  }
0x2d: {  	s3 =	simm.s32 $0x108;
	s8 =	sld [smem:$0x3FB2]  }
0x2e: {  	s3 =	simm.s32 @!p0 $0x1082;
	s9 =	sld [smem:$0x3FB3]  }
0x2f: {  	lr =	sadd.s32 s0, s3;
	s0 =	sld [smem:$0x3FAA]  }
0x30: {  	s3 =	sld [smem:$0x3FAD]  }
0x31: {  	[smem:$0x3FB6] =	sst s10  }
0x32: {  	s10 =	sld [smem:$0x3FB4];
	_ =	sdelay $0x3  }
0x33: {  	p0 =	seq.s32 s10, $0x1;
	s10 =	sld [smem:$0x3FB6];
	_ =	sdelay $0x3  }
0x34: {  	[smem:$0x3FB6] =	sst s10  }
0x35: {  	s10 =	sld [smem:$0x3FB5];
	_ =	sdelay $0x3  }
0x36: {  	p1 =	seq.s32 s10, $0x1;
	s10 =	sld [smem:$0x3FB6];
	_ =	sdelay $0x3  }
0x37: {  	[smem:$0x3FB6] =	sst s10  }
0x38: {  	s10 =	sld [smem:$0x3FB7]  }
0x39: {  	_ = 	snop;
	(pc) =	sbr.ind lr, $3  }
0x3a: {  	_ = 	snop  }
0x3b: {  	_ = 	snop  }
0x3c: {  	p2 =	seq.s32 s10, $0x1;
	s10 =	sld [smem:$0x3FB6]  }
0x3d: {  	_ =	shalt  }
0x3e: {  	_ =	shalt  }
0x3f: {  	_ =	shalt  }
0x40: {  	_ =	shalt  }
0x41: {  	_ =	shalt  }
0x42: {  	_ =	shalt  }
0x43: {  	_ =	shalt  }
0x44: {  	_ =	shalt  }
0x45: {  	_ =	shalt  }
0x46: {  	_ =	shalt  }
0x47: {  	_ =	shalt  }
0x48: {  	_ =	shalt  }
0x49: {  	_ =	shalt  }
0x4a: {  	_ =	shalt  }
0x4b: {  	_ =	shalt  }
0x4c: {  	_ =	shalt  }
0x4d: {  	_ =	shalt  }
0x4e: {  	_ =	shalt  }
0x4f: {  	_ =	shalt  }
0x50: {  	_ =	shalt  }
0x51: {  	_ =	shalt  }
0x52: {  	_ =	shalt  }
0x53: {  	_ =	shalt  }
0x54: {  	_ =	shalt  }
0x55: {  	_ =	shalt  }
0x56: {  	_ =	shalt  }
0x57: {  	_ =	shalt  }
0x58: {  	_ =	shalt  }
0x59: {  	_ =	shalt  }
0x5a: {  	_ =	shalt  }
0x5b: {  	_ =	shalt  }
0x5c: {  	_ =	shalt  }
0x5d: {  	_ =	shalt  }
0x5e: {  	_ =	shalt  }
0x5f: {  	_ =	shalt  }
0x60: {  	_ =	shalt  }
0x61: {  	_ =	shalt  }
0x62: {  	_ =	shalt  }
0x63: {  	_ =	shalt  }
0x64: {  	_ =	shalt  }
0x65: {  	_ =	shalt  }
0x66: {  	_ =	shalt  }
0x67: {  	_ =	shalt  }
0x68: {  	_ =	shalt  }
0x69: {  	_ =	shalt  }
0x6a: {  	_ =	shalt  }
0x6b: {  	_ =	shalt  }
0x6c: {  	_ =	shalt  }
0x6d: {  	_ =	shalt  }
0x6e: {  	_ =	shalt  }
0x6f: {  	_ =	shalt  }
0x70: {  	_ =	shalt  }
0x71: {  	_ =	shalt  }
0x72: {  	_ =	shalt  }
0x73: {  	_ =	shalt  }
0x74: {  	_ =	shalt  }
0x75: {  	_ =	shalt  }
0x76: {  	_ =	shalt  }
0x77: {  	_ =	shalt  }
0x78: {  	_ =	shalt  }
0x79: {  	_ =	shalt  }
0x7a: {  	_ =	shalt  }
0x7b: {  	_ =	shalt  }
0x7c: {  	_ =	shalt  }
0x7d: {  	_ =	shalt  }
0x7e: {  	_ =	shalt  }
0x7f: {  	_ =	shalt  }
0x80: {  	_ =	shalt  }
0x81: {  	_ =	shalt  }
0x82: {  	_ =	shalt  }
0x83: {  	_ =	shalt  }
0x84: {  	_ =	shalt  }
0x85: {  	_ =	shalt  }
0x86: {  	_ =	shalt  }
0x87: {  	_ =	shalt  }
.Lfunc_end0:
.L_simem_size_0:
called_computation.1_lowered:
.L_overlay_start_0:
0x88: {  	s2 =	sld [smem:$0x3FD9]  }
0x89: {  	s3 =	sld [smem:$0x3FFE];
	_ =	sdelay $0x1  }
0x8a: {  	s1 =	srdreg.scid  }
0x8b: {  	s0 =	sand.u32 $0x1, s1  }
0x8c: {  	s16 =	sshll.u32 s0, $0xA;
	s2 =	sadd.s32 s3, s2  }
0x8d: {  	s2 =	sadd.s32 s2, s16  }
0x8e: {  	[smem:$0x3FC2] =	sst s2  }
0x8f: {  	_ = 	snop  }
0x90: {  	(tm) =	ssettm $0x1  }
0x91: {  	s17 =	sld [smem:$0x3FFB];
	_ =	sdelay $0x3  }
0x92: {  	_ =	strace s17  }
0x93: {  	s2 =	sld [smem:$0x3FFC];
	_ =	sdelay $0x3  }
0x94: {  	_ =	strace s2  }
0x95: {  	s2 =	sld [smem:$0x3FFD];
	_ =	sdelay $0x3  }
0x96: {  	_ =	strace s2  }
0x97: {  	_ =	strace $0x8FFFFFFF  }
0x98: {  	s18 =	sld [smem:$0x3FDB];
	_ =	sdelay $0x1  }
0x99: {  	s19 =	simm.s32 $_scs_section_size  }
0x9a: {  	s4 =	simm.s32 $_size__tile_overlayer_lowered;
	s5 =	simm.s32 $_tile_overlayer_lowered  }
0x9b: {  	s22 =	simm.s32 $0x1BFF;
	s21 =	sshll.u32 s5, $0x1;
	s2 =	sadd.s32 s19, s18  }
0x9c: {  	s6 =	simm.s32 $0x0;
	s20 =	sshll.u32 s4, $0x1;
	s4 =	sadd.s32 s21, s2  }
0x9d: {  	[timem:s6], [sflag:s22] =	dma.local [hbm:s4], s20  }
0x9e: {  	_ =	swait.ge [sflag:s22], s20  }
0x9f: {  	s3 =	ssub.s32 $0x0, s20;
	[sflag:s22] =	ssyncset.done $0x0  }
0xa0: {  	[sflag:s22] =	ssyncadd.s32 s3;
	_ =	sdelay $0x1  }
0xa1: {  	s23 =	simm.s32 $0x1B8B  }
0xa2: {  	_ =	swait.ge [sflag:s23], $0x1  }
0xa3: {  	[sflag:s23] =	ssyncset.done $0x0  }
0xa4: {  	s25 =	simm.s32 $0x1B8E;
	s24 =	sld [smem:$0x3FFE];
	[sflag:s23] =	ssyncadd.s32 $0xFFFFFFFF  }
0xa5: {  	s26 =	simm.s32 $execute0_lowered;
	[smem:$0x3FD2] =	sst s25  }
0xa6: {  	s4 =	sshll.u32 s26, $0x1;
	_ =	strace $0x80000049;
	[dreg:$0x1] =	wrdreg $0xFFFFFFFF  }
0xa7: {  	s28 =	simm.s32 $_size_execute0_lowered;
	s2 =	sadd.s32 s2, s4;
	[dreg:$0x0] =	wrdreg $0x0  }
0xa8: {  	s4 =	sshll.u32 s28, $0x1;
	[dreg:$0x2] =	wrdreg s2  }
0xa9: {  	[dreg:$0x3] =	wrdreg s4  }
0xaa: {  	[dreg:$0x4] =	wrdreg $0xC0  }
0xab: {  	_ =	task [dreg:s6], $0x5FFFF  }
0xac: {  	[dreg:$0x1] =	wrdreg $0xFFFFFFFF  }
0xad: {  	[dreg:$0x0] =	wrdreg $0x60  }
0xae: {  	[dreg:$0x2] =	wrdreg s24  }
0xaf: {  	[dreg:$0x3] =	wrdreg $0x0  }
0xb0: {  	[dreg:$0x4] =	wrdreg $0xA0000  }
0xb1: {  	[dreg:$0x5] =	wrdreg $0x9  }
0xb2: {  	_ =	task.clear_ibuf [dreg:s6], $0x6FFFF;
	_ =	strace $0x90000049  }
0xb3: {  	s29 =	simm.s32 $0x9;
	_ =	strace $0x8000004B  }
0xb4: {  	_ =	swait.ge [sflag:s29], $0x1  }
0xb5: {  	[sflag:s29] =	ssyncadd.s32 $0xFFFFFFFF  }
0xb6: {  	_ =	strace $0x9000004B  }
0xb7: {  	_ =	sfence  }
0xb8: {  	s30 =	sld [smem:$0x0];
	_ =	sdelay $0x2  }
0xb9: {  	s31 =	sshll.u32 s1, $0xD;
	s1 =	sshrl.u32 s1, $0x2  }
0xba: {  	s3 =	sand.u32 $0x4000, s31;
	s1 =	sadd.s32 s1, s30  }
0xbb: {  	s0 =	sor.u32 s3, s0;
	s1 =	sshll.u32 s1, $0x11  }
0xbc: {  	s0 =	sor.u32 s1, s0  }
0xbd: {  	s0 =	sadd.s32 $0x8F2B, s0  }
0xbe: {  	[sflag:s0] =	ssyncadd.remote.s32 $0x1  }
0xbf: {  	_ =	sfence.sel $0xFFFF  }
0xc0: {  	[dreg:$0x0] =	wrdreg $0xFFFFFFFF;
	(pc) =	sbr.abs _section_cstart, $3  }
0xc1: {  	[dreg:$0x1] =	wrdreg $0xFFFFFFFF  }
0xc2: {  	_ =	task.clear_ibuf [dreg:s6], $0x2FFFF;
	_ =	strace $0x9FFFFFFF  }
0xc3: {  	(tm) =	ssettm $0x7FFFFFFF  }
tec
execute0_lowered:
.L_overlay_start_1:
0x0: {  	(tag) =	ssettag $0x1  }
0x1: {  	s6 =	rddreg [dreg:$0x0];
	s0 =	stileid.u32  }
0x2: {  	s1 =	srdreg.scid;
	s2 =	rddreg [dreg:$0x1]  }
0x3: {  	s3 =	rddreg [dreg:$0x2];
	s4 =	simm.s32 $0x0;
	s14 =	simm.s32 $0x16800  }
0x4: {  	s18 =	simm.s32 $0x1;
	s19 =	simm.s32 $0x2;
	s20 =	simm.s32 $0x3  }
0x5: {  	s21 =	simm.s32 $0x4;
	s22 =	simm.s32 $0x80;
	s23 =	simm.s32 $0x19000  }
0x6: {  	s24 =	simm.s32 $0x5;
	s25 =	simm.s32 $0x14080;
	s28 =	simm.s32 $0x16880  }
0x7: {  	s29 =	simm.s32 $0x0;
	s5 =	sand.u32 $0x1, s1;
	s26 =	sshll.u32 s0, $0x1  }
0x8: {  	s10 =	smul.u32 $0xA000, s0;
	[smem:$0x7FF] =	sst s4;
	s7 =	sor.u32 s5, s26  }
0x9: {  	s9 =	smul.u32 $0xA0000, s5;
	_ =	strace $0x8000004A;
	s31 =	ssub.s32 $0x2, s5  }
0xa: {  	s5 =	sadd.s32 $0xBA00, s6;
	s26 =	simm.s32 $0x1B000;
	s7 =	smul.u32 $0x500, s7  }
0xb: {  	s8 =	sshrl.u32 s10, $0x3;
	s12 =	sshrl.u32 s31, $0x1;
	s15 =	sadd.s32 s10, s2  }
0xc: {  	s17 =	sadd.s32 s10, s3;
	s11 =	sadd.s32 s8, s6;
	s30 =	sadd.s32 s10, s9  }
0xd: {  	s12 =	ssub.s32 s31, s12;
	s15 =	sshrl.u32 s15, $0x3;
	s17 =	sshrl.u32 s17, $0x3  }
0xe: {  	s7 =	sadd.s32 s7, s6;
	s8 =	sshrl.u32 s30, $0x3;
	s10 =	sadd.s32 $0x92C00, s11  }
0xf: {  	s12 =	smax.u32 s12, $0x1;
	s13 =	sadd.s32 s8, s6;
	s8 =	sshll.u32 s0, $0x6  }
0x10: {  	s6 =	sadd.s32 $0x10C00, s7;
	s7 =	sadd.s32 $0x1A00, s7;
	s9 =	sor.u32 $0x1C03, s8  }
0x11: {  	s11 =	sadd.s32 $0xA6C00, s13;
	s13 =	simm.s32 $0x14000;
	s16 =	sor.u32 $0x1C04, s8  }
.LBB2_1:
0x12: {  	[tilespmem:s13], [sflag:$0x1] =	stream.linear.gather [hbm4b:s6+s4], $0x2800, $0x38;
	[tilespmem:$0x1D000] =	vst v63  }
0x13: {  	_ = 	snop  }
0x14: {  	[tilespmem:s14], [sflag:$0x2] =	stream.linear.gather [hbm4b:s7+s4], $0x2800, $0x38;
	[tilespmem:$0x1D000] =	vst v63  }
0x15: {  	[spmem:s15], [sflag:s9] =	dma.local [hbm:s5], $0x1400  }
0x16: {  	[spmem:s17], [sflag:s16] =	dma.local [hbm:s10], $0x1400  }
0x17: {  	_ =	swait.ge [sflag:s18], $0x2800  }
0x18: {  	[sflag:s18] =	ssyncset.done $0x0  }
0x19: {  	[sflag:s18] =	ssyncadd.s32 $0xFFFFD800  }
0x1a: {  	_ =	swait.ge [sflag:s19], $0x2800  }
0x1b: {  	[sflag:s19] =	ssyncset.done $0x0  }
0x1c: {  	[sflag:s19] =	ssyncadd.s32 $0xFFFFD800  }
0x1d: {  	_ =	swait.ge [sflag:s20], $0x1400  }
0x1e: {  	[sflag:s20] =	ssyncset.done $0x0  }
0x1f: {  	[sflag:s20] =	ssyncadd.s32 $0xFFFFEC00  }
0x20: {  	_ =	swait.ge [sflag:s21], $0x1400  }
0x21: {  	[sflag:s21] =	ssyncset.done $0x0  }
0x22: {  	[sflag:s21] =	ssyncadd.s32 $0xFFFFEC00  }
0x23: {  	[bflag:$0x0] =	sbarrier.arrive $0xFFFF  }
0x24: {  	[tilespmem:s23], [sflag:$0x5] =	stream.indirect.gather [spmem:s3], $0x40, s13, s22, $0xb8;
	[tilespmem:$0x1D000] =	vst v63  }
0x25: {  	_ =	swait.ge [sflag:s24], $0x2000  }
0x26: {  	[sflag:s24] =	ssyncset.done $0x0  }
0x27: {  	[sflag:s24] =	ssyncadd.s32 $0xFFFFE000  }
0x28: {  	[spmem:s2] =	stream.indirect.scatter.add.f32 [tilespmem:s23], [sflag:$0x1], $0x40, s14, s22, $0xb8;
	[tilespmem:$0x1D000] =	vst v63  }
0x29: {  	_ = 	snop  }
0x2a: {  	[tilespmem:s26], [sflag:$0x5] =	stream.indirect.gather [spmem:s3], $0x40, s25, s22, $0xb8;
	[tilespmem:$0x1D000] =	vst v63  }
0x2b: {  	_ =	swait.ge [sflag:s24], $0x2000  }
0x2c: {  	[sflag:s24] =	ssyncset.done $0x0  }
0x2d: {  	[sflag:s24] =	ssyncadd.s32 $0xFFFFE000  }
0x2e: {  	[spmem:s2] =	stream.indirect.scatter.add.f32 [tilespmem:s26], [sflag:$0x2], $0x40, s28, s22, $0xb8;
	[tilespmem:$0x1D000] =	vst v63  }
0x2f: {  	_ =	swait.ge [sflag:s18], $0x2000  }
0x30: {  	[sflag:s18] =	ssyncset.done $0x0  }
0x31: {  	s30 =	simm.s32 $0x14100;
	[sflag:s18] =	ssyncadd.s32 $0xFFFFE000  }
0x32: {  	[tilespmem:s23], [sflag:$0x5] =	stream.indirect.gather [spmem:s3], $0x40, s30, s22, $0xb8;
	[tilespmem:$0x1D000] =	vst v63  }
0x33: {  	_ =	swait.ge [sflag:s24], $0x2000  }
0x34: {  	[sflag:s24] =	ssyncset.done $0x0  }
0x35: {  	s30 =	simm.s32 $0x16900;
	[sflag:s24] =	ssyncadd.s32 $0xFFFFE000  }
0x36: {  	[spmem:s2] =	stream.indirect.scatter.add.f32 [tilespmem:s23], [sflag:$0x1], $0x40, s30, s22, $0xb8;
	[tilespmem:$0x1D000] =	vst v63  }
0x37: {  	_ =	swait.ge [sflag:s19], $0x2000  }
0x38: {  	[sflag:s19] =	ssyncset.done $0x0  }
0x39: {  	s30 =	simm.s32 $0x14180;
	[sflag:s19] =	ssyncadd.s32 $0xFFFFE000  }
0x3a: {  	[tilespmem:s26], [sflag:$0x5] =	stream.indirect.gather [spmem:s3], $0x40, s30, s22, $0xb8;
	[tilespmem:$0x1D000] =	vst v63  }
0x3b: {  	_ =	swait.ge [sflag:s24], $0x2000  }
0x3c: {  	[sflag:s24] =	ssyncset.done $0x0  }
0x3d: {  	s31 =	simm.s32 $0x16980;
	s30 =	simm.s32 $0xFFFF6800;
	[sflag:s24] =	ssyncadd.s32 $0xFFFFE000  }
.LBB2_2:
0x3e: {  	[spmem:s2] =	stream.indirect.scatter.add.f32 [tilespmem:s26], [sflag:$0x2], $0x40, s31, s22, $0xb8;
	[tilespmem:$0x1D000] =	vst v63  }
0x3f: {  	s31 =	smov.u32 s30  }
0x40: {  	p0 =	sne.s32 s30, $0xFFFFFC00;
	s30 =	sadd.s32 $0x400, s30;
	_ =	swait.ge [sflag:s18], $0x2000  }
0x41: {  	s31 =	sshra.s32 s31, $0x2;
	[sflag:s18] =	ssyncset.done $0x0  }
0x42: {  	s1 =	sadd.s32 $0x16800, s31;
	[sflag:s18] =	ssyncadd.s32 $0xFFFFE000  }
0x43: {  	[tilespmem:s23], [sflag:$0x5] =	stream.indirect.gather [spmem:s3], $0x40, s1, s22, $0xb8;
	[tilespmem:$0x1D000] =	vst v63  }
0x44: {  	_ =	swait.ge [sflag:s24], $0x2000  }
0x45: {  	[sflag:s24] =	ssyncset.done $0x0  }
0x46: {  	s1 =	sadd.s32 $0x19000, s31;
	[sflag:s24] =	ssyncadd.s32 $0xFFFFE000  }
0x47: {  	[spmem:s2] =	stream.indirect.scatter.add.f32 [tilespmem:s23], [sflag:$0x1], $0x40, s1, s22, $0xb8;
	[tilespmem:$0x1D000] =	vst v63  }
0x48: {  	_ =	swait.ge [sflag:s19], $0x2000  }
0x49: {  	[sflag:s19] =	ssyncset.done $0x0  }
.Ltmp0:
0x4a: {  	s1 =	sadd.s32 $0x16880, s31;
	[sflag:s19] =	ssyncadd.s32 $0xFFFFE000;
	(pc) =	sbr.rel @p0 .LBB2_2-.Ltmp0, $4  }
0x4b: {  	[tilespmem:s26], [sflag:$0x5] =	stream.indirect.gather [spmem:s3], $0x40, s1, s22, $0xb8;
	[tilespmem:$0x1D000] =	vst v63  }
0x4c: {  	_ =	swait.ge [sflag:s24], $0x2000  }
0x4d: {  	[sflag:s24] =	ssyncset.done $0x0  }
0x4e: {  	s31 =	sadd.s32 $0x19080, s31;
	[sflag:s24] =	ssyncadd.s32 $0xFFFFE000  }
0x4f: {  	[spmem:s2] =	stream.indirect.scatter.add.f32 [tilespmem:s26], [sflag:$0x2], $0x40, s31, s22, $0xb8;
	[tilespmem:$0x1D000] =	vst v63  }
0x50: {  	_ =	swait.ge [sflag:s18], $0x2000  }
0x51: {  	[sflag:s18] =	ssyncset.done $0x0  }
0x52: {  	[sflag:s18] =	ssyncadd.s32 $0xFFFFE000  }
0x53: {  	_ =	swait.ge [sflag:s19], $0x2000  }
0x54: {  	s29 =	sadd.s32 $0x1, s29;
	[sflag:s19] =	ssyncset.done $0x0  }
0x55: {  	p0 =	sne.s32 s29, s12;
	[sflag:s19] =	ssyncadd.s32 $0xFFFFE000  }
.Ltmp1:
0x56: {  	s1 =	sor.u32 $0x1C05, s8;
	[bflag:$0x0] =	sbarrier.arrive $0xFFFF;
	(pc) =	sbr.rel @p0 .LBB2_1-.Ltmp1, $4  }
0x57: {  	[hbm:s11], [sflag:s1] =	dma.local [spmem:s15], $0x1400  }
0x58: {  	_ =	swait.ge [sflag:s24], $0x1400  }
0x59: {  	[sflag:s24] =	ssyncset.done $0x0  }
0x5a: {  	[sflag:s24] =	ssyncadd.s32 $0xFFFFEC00  }
0x5b: {  	_ =	sfence.sel $0x180000  }
0x5c: {  	[bflag:$0x0] =	sbarrier.arrive $0xFFFF  }
0x5d: {  	_ =	strace $0x9000004A  }
0x5e: {  	[bflag:$0x2] =	sbarrier.arrive $0xFFFF  }
0x5f: {  	p0 =	sne.s32 s0, $0x0;
	s0 =	rddreg [dreg:$0x3]  }
0x60: {  	s0 =	sadd.s32 @!p0 $0x100000, s0  }
0x61: {  	[sflag:s0] =	ssyncadd.tile.s32 @!p0 $0x1;
	_ =	shalt  }
.Lfunc_end2:
_tile_overlayer_lowered:
.L_overlay_start_2:
0x62: {  	(tag) =	ssettag $0x2  }
0x63: {  	s0 =	rddreg [dreg:$0x0];
	s2 =	stileid.u32  }
0x64: {  	s1 =	rddreg [dreg:$0x1];
	p0 =	sne.s32 s2, $0x0  }
0x65: {  	s3 =	rddreg [dreg:$0x2];
	[bflag:$0x3] =	sbarrier.arrive $0xFFFF;
	s2 =	simm.s32 @!p0 $0x1C05  }
0x66: {  	[timem:s3], [sflag:s2] =	dma.local @!p0 [hbm:s0], s1  }
0x67: {  	s0 =	simm.s32 @!p0 $0x5  }
0x68: {  	_ =	swait.ge @!p0 [sflag:s0], s1  }
0x69: {  	s1 =	ssub.s32 @!p0 $0x0, s1;
	[sflag:s0] =	ssyncset.done @!p0 $0x0  }
0x6a: {  	[sflag:s0] =	ssyncadd.s32 @!p0 s1  }
0x6b: {  	[bflag:$0x3] =	sbarrier.arrive $0xFFFF  }
0x6c: {  	_ =	shalt  }

// kernel: spmm8.3.cloned.1.call-start
scs
__scs_entry_jumppad:
0x0: {  	(pc) =	sbr.rel $0x88, $3  }
0x1: {  	(tag) =	ssettag $0x0;
	lr =	simm.s32 $0x1  }
0x2: {  	[smem:$0x3F9B] =	sst lr;
	_ =	strace $0xD0000000  }
0x3: {  	_ = 	snop  }
0x4: {  	_ = 	snop  }
0x5: {  	_ = 	snop  }
0x6: {  	_ = 	snop  }
0x7: {  	_ = 	snop  }
__scs_overlays_trampoline_lowered:
0x8: {  	[smem:$0x3FAA] =	sst s0  }
0x9: {  	[smem:$0x3FAB] =	sst s1  }
0xa: {  	[smem:$0x3FAC] =	sst s2  }
0xb: {  	[smem:$0x3FAD] =	sst s3  }
0xc: {  	[smem:$0x3FAE] =	sst s4  }
0xd: {  	[smem:$0x3FAF] =	sst s5  }
0xe: {  	[smem:$0x3FB0] =	sst s6  }
0xf: {  	[smem:$0x3FB1] =	sst s7  }
0x10: {  	[smem:$0x3FB2] =	sst s8  }
0x11: {  	[smem:$0x3FB3] =	sst s9;
	s0 =	simm.s32 @!p0 $0x0  }
0x12: {  	s1 =	sld [smem:$0x3F99];
	s0 =	simm.s32 @p0 $0x1  }
0x13: {  	[smem:$0x3FB4] =	sst s0;
	s0 =	simm.s32 @!p1 $0x0  }
0x14: {  	s2 =	sld [smem:$0x3F98];
	s0 =	simm.s32 @p1 $0x1  }
0x15: {  	[smem:$0x3FB5] =	sst s0;
	s0 =	simm.s32 @!p2 $0x0  }
0x16: {  	s3 =	sld [smem:$0x3FDB];
	s0 =	simm.s32 @p2 $0x1  }
0x17: {  	s4 =	simm.s32 $0x1BF5;
	[smem:$0x3FB7] =	sst s0  }
0x18: {  	s0 =	sld [smem:$0x3F9A];
	_ =	swait.ge [sflag:s4], $0x0  }
0x19: {  	s7 =	sld [smem:$0x3F9B]  }
0x1a: {  	s8 =	sadd.s32 $0xFFFFE003, lr  }
0x1b: {  	s9 =	sadd.s32 $0xFFFFFEF7, lr;
	s5 =	simm.s32 $0xFFFFFFFF;
	p2 =	slt.u32 s8, $0xFFFFF086  }
0x1c: {  	p1 =	slt.u32 s9, $0xF7A;
	s5 =	simm.s32 @!p2 $0x0  }
0x1d: {  	s5 =	simm.s32 @p1 $0x1;
	p0 =	seq.s32 s7, s2  }
0x1e: {  	s7 =	smul.u32 @!p0 $0xF7A, s2;
	p2 =	seq.s32 @!p0 s5, $0x0  }
0x1f: {  	s9 =	smul.u32 $0xF7A, s1;
	s8 =	simm.s32 @!p0 $0x1BF5;
	p2 =	por !p2, p0  }
0x20: {  	[sflag:s8] =	ssyncset.s32 @!p0 $0xFFFFF086;
	s6 =	sadd.s32 @!p0 s3, s7;
	s7 =	simm.s32 @!p0 $0x108  }
0x21: {  	s3 =	sadd.s32 s3, s9;
	s6 =	sadd.s32 @!p0 $0x88, s6;
	s7 =	simm.s32 @p2 $0x1082  }
0x22: {  	[simem:s7], [sflag:s8] =	dma.local @!p0 [hbm:s6], $0xF7A  }
0x23: {  	s9 =	sor.u32 $0xD0000000, s2;
	s6 =	simm.s32 $0x108;
	_ =	swait.ge @!p0 [sflag:s8], $0x0  }
0x24: {  	s3 =	sadd.s32 $0x88, s3;
	s6 =	simm.s32 @!p1 $0x1082;
	[sflag:s4] =	ssyncset.s32 $0xFFFFF086  }
0x25: {  	[simem:s6], [sflag:s4] =	dma.local [hbm:s3], $0xF7A  }
0x26: {  	[smem:$0x3F9B] =	sst s1;
	(tag) =	ssettag s2;
	_ =	strace s9  }
0x27: {  	s1 =	sld [smem:$0x3FAB]  }
0x28: {  	s2 =	sld [smem:$0x3FAC]  }
0x29: {  	s4 =	sld [smem:$0x3FAE]  }
0x2a: {  	p0 =	seq.s32 s5, $0x0;
	s5 =	sld [smem:$0x3FAF]  }
0x2b: {  	s6 =	sld [smem:$0x3FB0]  }
0x2c: {  	s7 =	sld [smem:$0x3FB1]  }
0x2d: {  	s3 =	simm.s32 $0x108;
	s8 =	sld [smem:$0x3FB2]  }
0x2e: {  	s3 =	simm.s32 @!p0 $0x1082;
	s9 =	sld [smem:$0x3FB3]  }
0x2f: {  	lr =	sadd.s32 s0, s3;
	s0 =	sld [smem:$0x3FAA]  }
0x30: {  	s3 =	sld [smem:$0x3FAD]  }
0x31: {  	[smem:$0x3FB6] =	sst s10  }
0x32: {  	s10 =	sld [smem:$0x3FB4];
	_ =	sdelay $0x3  }
0x33: {  	p0 =	seq.s32 s10, $0x1;
	s10 =	sld [smem:$0x3FB6];
	_ =	sdelay $0x3  }
0x34: {  	[smem:$0x3FB6] =	sst s10  }
0x35: {  	s10 =	sld [smem:$0x3FB5];
	_ =	sdelay $0x3  }
0x36: {  	p1 =	seq.s32 s10, $0x1;
	s10 =	sld [smem:$0x3FB6];
	_ =	sdelay $0x3  }
0x37: {  	[smem:$0x3FB6] =	sst s10  }
0x38: {  	s10 =	sld [smem:$0x3FB7]  }
0x39: {  	_ = 	snop;
	(pc) =	sbr.ind lr, $3  }
0x3a: {  	_ = 	snop  }
0x3b: {  	_ = 	snop  }
0x3c: {  	p2 =	seq.s32 s10, $0x1;
	s10 =	sld [smem:$0x3FB6]  }
0x3d: {  	_ =	shalt  }
0x3e: {  	_ =	shalt  }
0x3f: {  	_ =	shalt  }
0x40: {  	_ =	shalt  }
0x41: {  	_ =	shalt  }
0x42: {  	_ =	shalt  }
0x43: {  	_ =	shalt  }
0x44: {  	_ =	shalt  }
0x45: {  	_ =	shalt  }
0x46: {  	_ =	shalt  }
0x47: {  	_ =	shalt  }
0x48: {  	_ =	shalt  }
0x49: {  	_ =	shalt  }
0x4a: {  	_ =	shalt  }
0x4b: {  	_ =	shalt  }
0x4c: {  	_ =	shalt  }
0x4d: {  	_ =	shalt  }
0x4e: {  	_ =	shalt  }
0x4f: {  	_ =	shalt  }
0x50: {  	_ =	shalt  }
0x51: {  	_ =	shalt  }
0x52: {  	_ =	shalt  }
0x53: {  	_ =	shalt  }
0x54: {  	_ =	shalt  }
0x55: {  	_ =	shalt  }
0x56: {  	_ =	shalt  }
0x57: {  	_ =	shalt  }
0x58: {  	_ =	shalt  }
0x59: {  	_ =	shalt  }
0x5a: {  	_ =	shalt  }
0x5b: {  	_ =	shalt  }
0x5c: {  	_ =	shalt  }
0x5d: {  	_ =	shalt  }
0x5e: {  	_ =	shalt  }
0x5f: {  	_ =	shalt  }
0x60: {  	_ =	shalt  }
0x61: {  	_ =	shalt  }
0x62: {  	_ =	shalt  }
0x63: {  	_ =	shalt  }
0x64: {  	_ =	shalt  }
0x65: {  	_ =	shalt  }
0x66: {  	_ =	shalt  }
0x67: {  	_ =	shalt  }
0x68: {  	_ =	shalt  }
0x69: {  	_ =	shalt  }
0x6a: {  	_ =	shalt  }
0x6b: {  	_ =	shalt  }
0x6c: {  	_ =	shalt  }
0x6d: {  	_ =	shalt  }
0x6e: {  	_ =	shalt  }
0x6f: {  	_ =	shalt  }
0x70: {  	_ =	shalt  }
0x71: {  	_ =	shalt  }
0x72: {  	_ =	shalt  }
0x73: {  	_ =	shalt  }
0x74: {  	_ =	shalt  }
0x75: {  	_ =	shalt  }
0x76: {  	_ =	shalt  }
0x77: {  	_ =	shalt  }
0x78: {  	_ =	shalt  }
0x79: {  	_ =	shalt  }
0x7a: {  	_ =	shalt  }
0x7b: {  	_ =	shalt  }
0x7c: {  	_ =	shalt  }
0x7d: {  	_ =	shalt  }
0x7e: {  	_ =	shalt  }
0x7f: {  	_ =	shalt  }
0x80: {  	_ =	shalt  }
0x81: {  	_ =	shalt  }
0x82: {  	_ =	shalt  }
0x83: {  	_ =	shalt  }
0x84: {  	_ =	shalt  }
0x85: {  	_ =	shalt  }
0x86: {  	_ =	shalt  }
0x87: {  	_ =	shalt  }
.Lfunc_end0:
.L_simem_size_0:
called_computation.2_lowered:
.L_overlay_start_0:
0x88: {  	s2 =	sld [smem:$0x3FD9]  }
0x89: {  	s3 =	sld [smem:$0x3FFE];
	_ =	sdelay $0x1  }
0x8a: {  	s1 =	srdreg.scid  }
0x8b: {  	s0 =	sand.u32 $0x1, s1  }
0x8c: {  	s17 =	sshll.u32 s0, $0xA;
	s2 =	sadd.s32 s3, s2  }
0x8d: {  	s2 =	sadd.s32 s2, s17  }
0x8e: {  	[smem:$0x3FC2] =	sst s2  }
0x8f: {  	_ = 	snop  }
0x90: {  	s2 =	sld [smem:$0x3FD0];
	(tm) =	ssettm $0x1  }
0x91: {  	s18 =	sld [smem:$0x3FFB];
	_ =	sdelay $0x3  }
0x92: {  	_ =	strace s18  }
0x93: {  	s3 =	sld [smem:$0x3FFC];
	_ =	sdelay $0x3  }
0x94: {  	_ =	strace s3  }
0x95: {  	s3 =	sld [smem:$0x3FFD];
	_ =	sdelay $0x3  }
0x96: {  	_ =	strace s3  }
0x97: {  	_ =	strace $0x8FFFFFFF  }
0x98: {  	s19 =	sld [smem:$0x3FDB];
	_ =	sdelay $0x1  }
0x99: {  	s4 =	simm.s32 $_scs_section_size  }
0x9a: {  	s5 =	simm.s32 $_size__tile_overlayer_lowered;
	s6 =	simm.s32 $_tile_overlayer_lowered  }
0x9b: {  	s22 =	simm.s32 $0x1BFF;
	s21 =	sshll.u32 s6, $0x1;
	s3 =	sadd.s32 s4, s19  }
0x9c: {  	s7 =	simm.s32 $0x0;
	s20 =	sshll.u32 s5, $0x1;
	s5 =	sadd.s32 s21, s3  }
0x9d: {  	[timem:s7], [sflag:s22] =	dma.local [hbm:s5], s20  }
0x9e: {  	_ =	swait.ge [sflag:s22], s20  }
0x9f: {  	s4 =	ssub.s32 $0x0, s20;
	[sflag:s22] =	ssyncset.done $0x0  }
0xa0: {  	[sflag:s22] =	ssyncadd.s32 s4;
	_ =	sdelay $0x1  }
0xa1: {  	s23 =	simm.s32 $0x1B8B  }
0xa2: {  	_ =	swait.ge [sflag:s23], $0x1  }
0xa3: {  	[sflag:s23] =	ssyncset.done $0x0  }
0xa4: {  	s25 =	simm.s32 $0x1B8E;
	s24 =	sld [smem:$0x3FFE];
	[sflag:s23] =	ssyncadd.s32 $0xFFFFFFFF  }
0xa5: {  	s26 =	simm.s32 $execute0_lowered;
	[smem:$0x3FD2] =	sst s25  }
0xa6: {  	s5 =	sshll.u32 s26, $0x1;
	_ =	strace $0x8000004C;
	[dreg:$0x1] =	wrdreg $0xFFFFFFFF  }
0xa7: {  	s28 =	simm.s32 $_size_execute0_lowered;
	s3 =	sadd.s32 s3, s5;
	[dreg:$0x0] =	wrdreg $0x0  }
0xa8: {  	s5 =	sshll.u32 s28, $0x1;
	[dreg:$0x2] =	wrdreg s3  }
0xa9: {  	[dreg:$0x3] =	wrdreg s5  }
0xaa: {  	[dreg:$0x4] =	wrdreg $0xC0  }
0xab: {  	_ =	task [dreg:s7], $0x5FFFF  }
0xac: {  	[dreg:$0x1] =	wrdreg $0xFFFFFFFF  }
0xad: {  	[dreg:$0x0] =	wrdreg $0x60  }
0xae: {  	[dreg:$0x2] =	wrdreg s24  }
0xaf: {  	[dreg:$0x3] =	wrdreg s2  }
0xb0: {  	[dreg:$0x4] =	wrdreg $0x0  }
0xb1: {  	[dreg:$0x5] =	wrdreg $0x14000  }
0xb2: {  	[dreg:$0x6] =	wrdreg $0x9  }
0xb3: {  	_ =	task.clear_ibuf [dreg:s7], $0x7FFFF;
	_ =	strace $0x9000004C  }
0xb4: {  	s29 =	simm.s32 $0x9;
	_ =	strace $0x8000004E  }
0xb5: {  	_ =	swait.ge [sflag:s29], $0x1  }
0xb6: {  	[sflag:s29] =	ssyncadd.s32 $0xFFFFFFFF  }
0xb7: {  	_ =	strace $0x9000004E  }
0xb8: {  	_ =	sfence  }
0xb9: {  	s30 =	sld [smem:$0x0];
	_ =	sdelay $0x2  }
0xba: {  	s31 =	sshll.u32 s1, $0xD;
	s1 =	sshrl.u32 s1, $0x2  }
0xbb: {  	s3 =	sand.u32 $0x4000, s31;
	s1 =	sadd.s32 s1, s30  }
0xbc: {  	s0 =	sor.u32 s3, s0;
	s1 =	sshll.u32 s1, $0x11  }
0xbd: {  	s0 =	sor.u32 s1, s0  }
0xbe: {  	s0 =	sadd.s32 $0x8F2B, s0  }
0xbf: {  	[sflag:s0] =	ssyncadd.remote.s32 $0x1  }
0xc0: {  	_ =	sfence.sel $0xFFFF  }
0xc1: {  	[dreg:$0x0] =	wrdreg $0xFFFFFFFF;
	(pc) =	sbr.abs _section_cstart, $3  }
0xc2: {  	[dreg:$0x1] =	wrdreg $0xFFFFFFFF  }
0xc3: {  	_ =	task.clear_ibuf [dreg:s7], $0x2FFFF;
	_ =	strace $0x9FFFFFFF  }
0xc4: {  	(tm) =	ssettm $0x7FFFFFFF  }
0xc5: {  	_ =	shalt  }
tec
execute0_lowered:
.L_overlay_start_1:
0x0: {  	(tag) =	ssettag $0x1  }
0x1: {  	s6 =	rddreg [dreg:$0x0]  }
0x2: {  	s1 =	rddreg [dreg:$0x1]  }
0x3: {  	s3 =	rddreg [dreg:$0x2]  }
0x4: {  	s4 =	rddreg [dreg:$0x3]  }
0x5: {  	s5 =	simm.s32 $0x0;
	s2 =	stileid.u32;
	s7 =	srdreg.scid  }
0x6: {  	s14 =	simm.s32 $0x5000;
	s18 =	simm.s32 $0x1;
	s19 =	simm.s32 $0x2  }
0x7: {  	s20 =	simm.s32 $0x3;
	s21 =	simm.s32 $0x4;
	s22 =	simm.s32 $0x80  }
0x8: {  	s23 =	simm.s32 $0x7800;
	s24 =	simm.s32 $0x5;
	s25 =	simm.s32 $0x2880  }
0x9: {  	s26 =	simm.s32 $0x7C00;
	s28 =	simm.s32 $0x5080;
	s29 =	simm.s32 $0x0  }
0xa: {  	s10 =	smul.u32 $0x1400, s2;
	s7 =	sand.u32 $0x1, s7;
	s8 =	sshll.u32 s2, $0x1  }
0xb: {  	[smem:$0x7FF] =	sst s5;
	s8 =	sor.u32 s7, s8;
	s9 =	smul.u32 $0x14000, s7  }
0xc: {  	_ =	strace $0x8000004D;
	s7 =	ssub.s32 $0x2, s7;
	s11 =	sshrl.u32 s10, $0x3  }
0xd: {  	s8 =	smul.u32 $0x500, s8;
	s12 =	sshrl.u32 s7, $0x1;
	s15 =	sadd.s32 s10, s3  }
0xe: {  	s17 =	sadd.s32 s10, s4;
	s11 =	sadd.s32 s11, s6;
	s9 =	sadd.s32 s10, s9  }
0xf: {  	s12 =	ssub.s32 s7, s12;
	s15 =	sshrl.u32 s15, $0x3;
	s9 =	sshrl.u32 s9, $0x3  }
0x10: {  	s17 =	sshrl.u32 s17, $0x3;
	s8 =	sadd.s32 s8, s6;
	s13 =	sadd.s32 s9, s6  }
0x11: {  	s6 =	sadd.s32 $0x10C00, s8;
	s7 =	sadd.s32 $0x1A00, s8;
	s8 =	sshll.u32 s2, $0x6  }
0x12: {  	s10 =	sadd.s32 $0xBA00, s11;
	s12 =	smax.u32 s12, $0x1;
	s9 =	sor.u32 $0x1C03, s8  }
0x13: {  	s11 =	sadd.s32 $0x6AC00, s13;
	s13 =	simm.s32 $0x2800;
	s16 =	sor.u32 $0x1C04, s8  }
.LBB2_1:
0x14: {  	[tilespmem:s13], [sflag:$0x1] =	stream.linear.gather [hbm4b:s6+s5], $0x2800, $0x38;
	[tilespmem:$0x8000] =	vst v63  }
0x15: {  	_ = 	snop  }
0x16: {  	[tilespmem:s14], [sflag:$0x2] =	stream.linear.gather [hbm4b:s7+s5], $0x2800, $0x38;
	[tilespmem:$0x8000] =	vst v63  }
0x17: {  	[spmem:s15], [sflag:s9] =	dma.local [hbm:s1], $0x280  }
0x18: {  	[spmem:s17], [sflag:s16] =	dma.local [hbm:s10], $0x280  }
0x19: {  	_ =	swait.ge [sflag:s18], $0x2800  }
0x1a: {  	[sflag:s18] =	ssyncset.done $0x0  }
0x1b: {  	[sflag:s18] =	ssyncadd.s32 $0xFFFFD800  }
0x1c: {  	_ =	swait.ge [sflag:s19], $0x2800  }
0x1d: {  	[sflag:s19] =	ssyncset.done $0x0  }
0x1e: {  	[sflag:s19] =	ssyncadd.s32 $0xFFFFD800  }
0x1f: {  	_ =	swait.ge [sflag:s20], $0x280  }
0x20: {  	[sflag:s20] =	ssyncset.done $0x0  }
0x21: {  	[sflag:s20] =	ssyncadd.s32 $0xFFFFFD80  }
0x22: {  	_ =	swait.ge [sflag:s21], $0x280  }
0x23: {  	[sflag:s21] =	ssyncset.done $0x0  }
0x24: {  	[sflag:s21] =	ssyncadd.s32 $0xFFFFFD80  }
0x25: {  	[bflag:$0x0] =	sbarrier.arrive $0xFFFF  }
0x26: {  	[tilespmem:s23], [sflag:$0x5] =	stream.indirect.gather [spmem:s4], $0x8, s13, s22, $0xb8;
	[tilespmem:$0x8000] =	vst v63  }
0x27: {  	_ =	swait.ge [sflag:s24], $0x400  }
0x28: {  	[sflag:s24] =	ssyncset.done $0x0  }
0x29: {  	[sflag:s24] =	ssyncadd.s32 $0xFFFFFC00  }
0x2a: {  	[spmem:s3] =	stream.indirect.scatter.add.f32 [tilespmem:s23], [sflag:$0x1], $0x8, s14, s22, $0xb8;
	[tilespmem:$0x8000] =	vst v63  }
0x2b: {  	_ = 	snop  }
0x2c: {  	[tilespmem:s26], [sflag:$0x5] =	stream.indirect.gather [spmem:s4], $0x8, s25, s22, $0xb8;
	[tilespmem:$0x8000] =	vst v63  }
0x2d: {  	_ =	swait.ge [sflag:s24], $0x400  }
0x2e: {  	[sflag:s24] =	ssyncset.done $0x0  }
0x2f: {  	[sflag:s24] =	ssyncadd.s32 $0xFFFFFC00  }
0x30: {  	[spmem:s3] =	stream.indirect.scatter.add.f32 [tilespmem:s26], [sflag:$0x2], $0x8, s28, s22, $0xb8;
	[tilespmem:$0x8000] =	vst v63  }
0x31: {  	_ =	swait.ge [sflag:s18], $0x400  }
0x32: {  	[sflag:s18] =	ssyncset.done $0x0  }
0x33: {  	s30 =	simm.s32 $0x2900;
	[sflag:s18] =	ssyncadd.s32 $0xFFFFFC00  }
0x34: {  	[tilespmem:s23], [sflag:$0x5] =	stream.indirect.gather [spmem:s4], $0x8, s30, s22, $0xb8;
	[tilespmem:$0x8000] =	vst v63  }
0x35: {  	_ =	swait.ge [sflag:s24], $0x400  }
0x36: {  	[sflag:s24] =	ssyncset.done $0x0  }
0x37: {  	s30 =	simm.s32 $0x5100;
	[sflag:s24] =	ssyncadd.s32 $0xFFFFFC00  }
0x38: {  	[spmem:s3] =	stream.indirect.scatter.add.f32 [tilespmem:s23], [sflag:$0x1], $0x8, s30, s22, $0xb8;
	[tilespmem:$0x8000] =	vst v63  }
0x39: {  	_ =	swait.ge [sflag:s19], $0x400  }
0x3a: {  	[sflag:s19] =	ssyncset.done $0x0  }
0x3b: {  	s30 =	simm.s32 $0x2980;
	[sflag:s19] =	ssyncadd.s32 $0xFFFFFC00  }
0x3c: {  	[tilespmem:s26], [sflag:$0x5] =	stream.indirect.gather [spmem:s4], $0x8, s30, s22, $0xb8;
	[tilespmem:$0x8000] =	vst v63  }
0x3d: {  	_ =	swait.ge [sflag:s24], $0x400  }
0x3e: {  	[sflag:s24] =	ssyncset.done $0x0  }
0x3f: {  	s31 =	simm.s32 $0x5180;
	s30 =	simm.s32 $0xFFFF6800;
	[sflag:s24] =	ssyncadd.s32 $0xFFFFFC00  }
.LBB2_2:
0x40: {  	[spmem:s3] =	stream.indirect.scatter.add.f32 [tilespmem:s26], [sflag:$0x2], $0x8, s31, s22, $0xb8;
	[tilespmem:$0x8000] =	vst v63  }
0x41: {  	s31 =	smov.u32 s30  }
0x42: {  	p0 =	sne.s32 s30, $0xFFFFFC00;
	s30 =	sadd.s32 $0x400, s30;
	_ =	swait.ge [sflag:s18], $0x400  }
0x43: {  	s31 =	sshra.s32 s31, $0x2;
	[sflag:s18] =	ssyncset.done $0x0  }
0x44: {  	s0 =	sadd.s32 $0x5000, s31;
	[sflag:s18] =	ssyncadd.s32 $0xFFFFFC00  }
0x45: {  	[tilespmem:s23], [sflag:$0x5] =	stream.indirect.gather [spmem:s4], $0x8, s0, s22, $0xb8;
	[tilespmem:$0x8000] =	vst v63  }
0x46: {  	_ =	swait.ge [sflag:s24], $0x400  }
0x47: {  	[sflag:s24] =	ssyncset.done $0x0  }
0x48: {  	s0 =	sadd.s32 $0x7800, s31;
	[sflag:s24] =	ssyncadd.s32 $0xFFFFFC00  }
0x49: {  	[spmem:s3] =	stream.indirect.scatter.add.f32 [tilespmem:s23], [sflag:$0x1], $0x8, s0, s22, $0xb8;
	[tilespmem:$0x8000] =	vst v63  }
0x4a: {  	_ =	swait.ge [sflag:s19], $0x400  }
0x4b: {  	[sflag:s19] =	ssyncset.done $0x0  }
.Ltmp0:
0x4c: {  	s0 =	sadd.s32 $0x5080, s31;
	[sflag:s19] =	ssyncadd.s32 $0xFFFFFC00;
	(pc) =	sbr.rel @p0 .LBB2_2-.Ltmp0, $4  }
0x4d: {  	[tilespmem:s26], [sflag:$0x5] =	stream.indirect.gather [spmem:s4], $0x8, s0, s22, $0xb8;
	[tilespmem:$0x8000] =	vst v63  }
0x4e: {  	_ =	swait.ge [sflag:s24], $0x400  }
0x4f: {  	[sflag:s24] =	ssyncset.done $0x0  }
0x50: {  	s31 =	sadd.s32 $0x7880, s31;
	[sflag:s24] =	ssyncadd.s32 $0xFFFFFC00  }
0x51: {  	[spmem:s3] =	stream.indirect.scatter.add.f32 [tilespmem:s26], [sflag:$0x2], $0x8, s31, s22, $0xb8;
	[tilespmem:$0x8000] =	vst v63  }
0x52: {  	_ =	swait.ge [sflag:s18], $0x400  }
0x53: {  	[sflag:s18] =	ssyncset.done $0x0  }
0x54: {  	[sflag:s18] =	ssyncadd.s32 $0xFFFFFC00  }
0x55: {  	_ =	swait.ge [sflag:s19], $0x400  }
0x56: {  	s29 =	sadd.s32 $0x1, s29;
	[sflag:s19] =	ssyncset.done $0x0  }
0x57: {  	p0 =	sne.s32 s29, s12;
	[sflag:s19] =	ssyncadd.s32 $0xFFFFFC00  }
.Ltmp1:
0x58: {  	s0 =	sor.u32 $0x1C05, s8;
	[bflag:$0x0] =	sbarrier.arrive $0xFFFF;
	(pc) =	sbr.rel @p0 .LBB2_1-.Ltmp1, $4  }
0x59: {  	[hbm:s11], [sflag:s0] =	dma.local [spmem:s15], $0x280  }
0x5a: {  	_ =	swait.ge [sflag:s24], $0x280  }
0x5b: {  	[sflag:s24] =	ssyncset.done $0x0  }
0x5c: {  	[sflag:s24] =	ssyncadd.s32 $0xFFFFFD80  }
0x5d: {  	_ =	sfence.sel $0x180000  }
0x5e: {  	[bflag:$0x0] =	sbarrier.arrive $0xFFFF  }
0x5f: {  	_ =	strace $0x9000004D  }
0x60: {  	[bflag:$0x2] =	sbarrier.arrive $0xFFFF  }
0x61: {  	p0 =	sne.s32 s2, $0x0;
	s0 =	rddreg [dreg:$0x4]  }
0x62: {  	s0 =	sadd.s32 @!p0 $0x100000, s0  }
0x63: {  	[sflag:s0] =	ssyncadd.tile.s32 @!p0 $0x1;
	_ =	shalt  }
.Lfunc_end2:
_tile_overlayer_lowered:
.L_overlay_start_2:
0x64: {  	(tag) =	ssettag $0x2  }
0x65: {  	s0 =	rddreg [dreg:$0x0];
	s2 =	stileid.u32  }
0x66: {  	s1 =	rddreg [dreg:$0x1];
	p0 =	sne.s32 s2, $0x0  }
0x67: {  	s3 =	rddreg [dreg:$0x2];
	[bflag:$0x3] =	sbarrier.arrive $0xFFFF;
	s2 =	simm.s32 @!p0 $0x1C05  }
0x68: {  	[timem:s3], [sflag:s2] =	dma.local @!p0 [hbm:s0], s1  }
0x69: {  	s0 =	simm.s32 @!p0 $0x5  }
0x6a: {  	_ =	swait.ge @!p0 [sflag:s0], s1  }
0x6b: {  	s1 =	ssub.s32 @!p0 $0x0, s1;
	[sflag:s0] =	ssyncset.done @!p0 $0x0  }
0x6c: {  	[sflag:s0] =	ssyncadd.s32 @!p0 s1  }
0x6d: {  	[bflag:$0x3] =	sbarrier.arrive $0xFFFF  }
0x6e: {  	_ =	shalt  }

</sc_bundles>
